<compile_context>
chip_gen: v7x
topology: tpu7x:2x2x1
jax: 0.10.2.dev20260603
libtpu: 0.0.44.dev20260713+nightly
codegen_flags: <defaults>
</compile_context>

<pallas_src>
import functools

import jax
import jax.numpy as jnp
from jax import lax
from jax.experimental import pallas as pl
from jax.experimental.pallas import tpu as pltpu
from jax.experimental.pallas import tpu_sc as plsc

B = 16384
K = 8192
D = 32
BETA = 0.25

BM = 256
BK = 2048

NC = 2
NS = 16
NW = NC * NS
CHUNK = B // NW
IDX_ROWS = CHUNK // 128


def _argmin_kernel(na_ref, e_ref, e2_ref, idx_ref):
    na_bf = na_ref[...].astype(jnp.bfloat16)
    best_v = jnp.full((BM, 1), jnp.inf, jnp.float32)
    best_i = jnp.zeros((BM, 1), jnp.int32)
    iota = lax.broadcasted_iota(jnp.int32, (BM, BK), 1)
    for k in range(K // BK):
        e_blk = e_ref[pl.ds(k * BK, BK), :]
        e2 = e2_ref[:, pl.ds(k * BK, BK)]
        nae = lax.dot_general(na_bf, e_blk.astype(jnp.bfloat16),
                              (((1,), (1,)), ((), ())),
                              preferred_element_type=jnp.float32)
        dist = e2 + nae
        m = jnp.min(dist, axis=1, keepdims=True)
        am = jnp.min(jnp.where(dist == m, iota, K), axis=1, keepdims=True)
        upd = m < best_v
        best_v = jnp.where(upd, m, best_v)
        best_i = jnp.where(upd, am + (k * BK), best_i)
    idx_ref[...] = best_i


def _argmin_call(na, codebook, e2):
    return pl.pallas_call(
        _argmin_kernel,
        grid=(B // BM,),
        in_specs=[
            pl.BlockSpec((BM, D), lambda i: (i, 0)),
            pl.BlockSpec((K, D), lambda i: (0, 0)),
            pl.BlockSpec((1, K), lambda i: (0, 0)),
        ],
        out_specs=pl.BlockSpec((BM, 1), lambda i: (i, 0)),
        out_shape=jax.ShapeDtypeStruct((B, 1), jnp.int32),
    )(na, codebook, e2)


_SC_MESH = plsc.VectorSubcoreMesh(core_axis_name="c", subcore_axis_name="s")


@functools.partial(
    pl.kernel,
    mesh=_SC_MESH,
    compiler_params=pltpu.CompilerParams(use_tc_tiling_on_sc=False),
    out_type=[
        jax.ShapeDtypeStruct((B, D), jnp.float32),
        jax.ShapeDtypeStruct((NC, K), jnp.float32),
        jax.ShapeDtypeStruct((NW, 16), jnp.float32),
    ],
    scratch_types=[
        pltpu.VMEM((IDX_ROWS, 128), jnp.int32),
        pltpu.VMEM((CHUNK, D), jnp.float32),
        pltpu.VMEM((CHUNK, D), jnp.float32),
        pltpu.VMEM((128,), jnp.float32),
        pltpu.VMEM((K,), jnp.float32),
        pltpu.VMEM((16,), jnp.float32),
        pltpu.VMEM_SHARED((K,), jnp.float32),
        pltpu.SemaphoreType.DMA,
    ],
)
def _sc_gather(a_hbm, cb_hbm, idx_hbm, z_hbm, counts_hbm, mse_hbm,
               idx_v, rows_v, az_v, ones_v, zeros_v, acc_v, counts_sh, sem):
    cid = lax.axis_index("c")
    sid = lax.axis_index("s")
    wid = sid * NC + cid
    base = wid * CHUNK

    @pl.when(sid == 0)
    def _():
        def zbody(i, _):
            zeros_v[pl.ds(i * 16, 16)] = jnp.zeros((16,), jnp.float32)
            return 0
        lax.fori_loop(0, K // 16, zbody, 0)
        pltpu.sync_copy(zeros_v, counts_sh)

    pltpu.sync_copy(idx_hbm.at[pl.ds(wid * IDX_ROWS, IDX_ROWS)], idx_v)
    copies = []
    for j in range(IDX_ROWS):
        copies.append(pltpu.async_copy(
            cb_hbm.at[idx_v.at[j]], rows_v.at[pl.ds(j * 128, 128)], sem))
    pltpu.sync_copy(a_hbm.at[pl.ds(base, CHUNK)], az_v)
    for c in copies:
        c.wait()

    def obody(i, _):
        ones_v[pl.ds(i * 16, 16)] = jnp.full((16,), 1.0, jnp.float32)
        return 0
    lax.fori_loop(0, 128 // 16, obody, 0)

    plsc.subcore_barrier()
    for j in range(IDX_ROWS):
        pltpu.sync_copy(ones_v, counts_sh.at[idx_v.at[j]], add=True)

    def rbody(r, acc):
        for h in range(D // 16):
            zr = rows_v[r, pl.ds(h * 16, 16)]
            ar = az_v[r, pl.ds(h * 16, 16)]
            t = zr - ar
            az_v[r, pl.ds(h * 16, 16)] = ar + t
            acc = acc + t * t
        return acc
    acc = lax.fori_loop(0, CHUNK, rbody, jnp.zeros((16,), jnp.float32))
    acc_v[...] = acc
    pltpu.sync_copy(az_v, z_hbm.at[pl.ds(base, CHUNK)])
    pltpu.sync_copy(acc_v, mse_hbm.at[wid])

    plsc.subcore_barrier()

    @pl.when(sid == 0)
    def _():
        pltpu.sync_copy(counts_sh, counts_hbm.at[cid])


def _finalize_kernel(counts_ref, mse_ref, out_ref):
    counts = jnp.sum(counts_ref[...], axis=0, keepdims=True)
    mse = jnp.sum(mse_ref[...]) / float(B * D)
    usage = counts / float(B)
    ent = usage * jnp.log(usage + 1e-10)
    perplexity = jnp.exp(-jnp.sum(ent))
    used = jnp.sum((usage > 0).astype(jnp.float32))
    umean = jnp.sum(usage) / float(K)
    out_ref[0, 0] = BETA * mse
    out_ref[0, 1] = mse
    out_ref[0, 2] = perplexity
    out_ref[0, 3] = used
    out_ref[0, 4] = umean
    out_ref[0, 5] = 0.0
    out_ref[0, 6] = 0.0
    out_ref[0, 7] = 0.0


def _finalize_call(counts2, mse_parts):
    return pl.pallas_call(
        _finalize_kernel,
        in_specs=[
            pl.BlockSpec((NC, K), lambda: (0, 0)),
            pl.BlockSpec((NW, 16), lambda: (0, 0)),
        ],
        out_specs=pl.BlockSpec(memory_space=pltpu.SMEM),
        out_shape=jax.ShapeDtypeStruct((1, 8), jnp.float32),
    )(counts2, mse_parts)


def kernel(a, codebook):
    e2 = jnp.sum(codebook ** 2, axis=1)[None, :]
    idx2 = _argmin_call(-2.0 * a, codebook, e2)
    idx = idx2.reshape(B)
    idx128 = idx.reshape(NW * IDX_ROWS, 128)
    z, counts2, mse_parts = _sc_gather(a, codebook, idx128)
    scal = _finalize_call(counts2, mse_parts)
    return (idx, z, scal[0, 0], scal[0, 1], scal[0, 2], scal[0, 3],
            scal[0, 4])

# --- scband reference (transcript-rebuilt; emitter-appended) ---
"""Pipeline reference for scband-vector-quantizer-37314675867753 (READ-ONLY COPY).

The authoritative reference and input builder live on the scoring server;
editing this copy changes nothing except your own understanding.
"""

import jax, jax.numpy as jnp
import numpy as np

B = 16384
K = 8192
D = 32
BETA = 0.25


def setup_inputs(seed: int = 0) -> dict:
    key = jax.random.key(seed)
    k1, k2 = jax.random.split(key)
    a = jax.random.normal(k1, (B, D), dtype=jnp.float32)
    # codebook initialized uniform(-1/K, 1/K) like nn.init.uniform_
    codebook = jax.random.uniform(k2, (K, D), dtype=jnp.float32, minval=-1.0 / K, maxval=1.0 / K)
    return {"a": a, "codebook": codebook}


def reference(a, codebook):
    # nearest-neighbor lookup via expanded squared distance
    a2 = jnp.sum(a ** 2, axis=1, keepdims=True)            # [B, 1]
    e2 = jnp.sum(codebook ** 2, axis=1)[None, :]            # [1, K]
    ae = a @ codebook.T                                     # [B, K]
    dist = a2 + e2 - 2.0 * ae
    idx = jnp.argmin(dist, axis=1)                          # [B]

    z_q = jnp.take(codebook, idx, axis=0)                   # embedding gather [B, D]
    # straight-through estimator
    z = a + jax.lax.stop_gradient(z_q - a)

    commit_loss = BETA * jnp.mean((a - jax.lax.stop_gradient(z_q)) ** 2)
    codebook_loss = jnp.mean((jax.lax.stop_gradient(a) - z_q) ** 2)

    # usage stats (no-grad in original)
    counts = jnp.bincount(idx, length=K).astype(jnp.float32)
    usage = counts / float(a.shape[0])                      # mean of one-hot over batch
    eps = 1e-10
    perplexity = jnp.exp(-jnp.sum(usage * jnp.log(usage + eps)))
    used_codes = jnp.sum(usage > 0).astype(jnp.float32)
    usage_mean = jnp.mean(usage)

    return (idx, z, commit_loss, codebook_loss, perplexity, used_codes, usage_mean)

if __name__ == "__main__":
    import jax
    _d = setup_inputs()
    print(jax.jit(kernel)(*tuple(_d.values())))

</pallas_src>

<mosaic_0001>
#map = affine_map<(d0, d1) -> (0, 0)>
module attributes {stable_mosaic.version = 14 : i64} {
  func.func @_sc_gather(%arg0: i32, %arg1: i32, %arg2: memref<16384x32xf32, #tpu.memory_space<hbm>>, %arg3: memref<8192x32xf32, #tpu.memory_space<hbm>>, %arg4: memref<128x128xi32, #tpu.memory_space<hbm>>, %arg5: memref<16384x32xf32, #tpu.memory_space<hbm>>, %arg6: memref<2x8192xf32, #tpu.memory_space<hbm>>, %arg7: memref<32x16xf32, #tpu.memory_space<hbm>>, %arg8: memref<4x128xi32, #tpu.memory_space<vmem>>, %arg9: memref<512x32xf32, #tpu.memory_space<vmem>>, %arg10: memref<512x32xf32, #tpu.memory_space<vmem>>, %arg11: memref<128xf32, #tpu.memory_space<vmem>>, %arg12: memref<8192xf32, #tpu.memory_space<vmem>>, %arg13: memref<16xf32, #tpu.memory_space<vmem>>, %arg14: memref<8192xf32, #tpu.memory_space<vmem_shared>>, %arg15: memref<!tpu.dma_semaphore, #tpu.memory_space<semaphore_mem>>) attributes {dimension_semantics = [#tpu.dimension_semantics<core_parallel>, #tpu.dimension_semantics<subcore_parallel>], iteration_bounds = array<i64: 2, 16>, scalar_prefetch = 0 : i64, scratch_operands = 8 : i64, tpu.core_type = #tpu.core_type<sc_vector_subcore>, window_params = [{transform_indices = #map}, {transform_indices = #map}, {transform_indices = #map}, {transform_indices = #map}, {transform_indices = #map}, {transform_indices = #map}]} {
    %mul3A = arith.constant 2 : i32
    %mul3A_0 = arith.muli %arg1, %mul3A : i32
    %add3A = arith.addi %mul3A_0, %arg0 : i32
    %mul3A_1 = arith.constant 512 : i32
    %mul3A_2 = arith.muli %add3A, %mul3A_1 : i32
    %eq3A = arith.constant 0 : i32
    %eq3A_3 = arith.cmpi eq, %arg1, %eq3A : i32
    %convert_element_type3A = arith.extui %eq3A_3 : i1 to i32
    %cond3A = arith.constant 0 : i32
    %cond3A_4 = arith.cmpi ne, %convert_element_type3A, %cond3A : i32
    scf.if %cond3A_4 {
      %scan3A_110 = arith.constant 0 : i32
      %scan3A_111 = arith.constant 0 : i32
      %scan3A_112 = arith.constant 512 : i32
      %scan3A_113 = arith.addi %scan3A_111, %scan3A_112 : i32
      %scan3A_114 = arith.constant 1 : i32
      %scan3A_115 = scf.for %scan3A_117 = %scan3A_111 to %scan3A_113 step %scan3A_114 iter_args(%scan3A_118 = %scan3A_110) -> (i32)  : i32 {
        %broadcast_in_dim3A_119 = arith.constant 0.000000e+00 : f32
        %broadcast_in_dim3A_120 = vector.broadcast %broadcast_in_dim3A_119 : f32 to vector<16xf32>
        %mul3A_121 = arith.constant 16 : i32
        %mul3A_122 = arith.muli %scan3A_117, %mul3A_121 : i32
        %swap3A_123 = arith.index_cast %mul3A_122 : i32 to index
        %swap3A_124 = tpu.vector_load %arg12[%swap3A_123] {strides = array<i32>} : memref<8192xf32, #tpu.memory_space<vmem>>, vector<16xf32>,
        %swap3A_125 = vector.shape_cast %swap3A_124 : vector<16xf32> to vector<16xf32>
        %swap3A_126 = vector.shape_cast %broadcast_in_dim3A_120 : vector<16xf32> to vector<16xf32>
        tpu.vector_store %arg12[%swap3A_123], %swap3A_126 {strides = array<i32>} : memref<8192xf32, #tpu.memory_space<vmem>>, vector<16xf32>,
        %scan3A_127 = arith.constant 0 : i32
        scf.yield %scan3A_127 : i32
      }
      %scan3A_116 = arith.constant 512 : i32
      "tpu.region"() ({
        %run_scoped3A_117 = tpu.sem_alloc : memref<!tpu.dma_semaphore, #tpu.memory_space<semaphore_mem>>
        tpu.enqueue_dma source(%arg12 : memref<8192xf32, #tpu.memory_space<vmem>>) target(%arg14 : memref<8192xf32, #tpu.memory_space<vmem_shared>>) target_semaphore(%run_scoped3A_117 : memref<!tpu.dma_semaphore, #tpu.memory_space<semaphore_mem>>)
        tpu.wait_dma2 semaphore(%run_scoped3A_117 : memref<!tpu.dma_semaphore, #tpu.memory_space<semaphore_mem>>) src(%arg12 : memref<8192xf32, #tpu.memory_space<vmem>>) dst(%arg14 : memref<8192xf32, #tpu.memory_space<vmem_shared>>)
        tpu.yield
      }) : () -> ()
    } else {
    }
    %mul3A_5 = arith.constant 4 : i32
    %mul3A_6 = arith.muli %add3A, %mul3A_5 : i32
    "tpu.region"() ({
      %run_scoped3A_110 = tpu.sem_alloc : memref<!tpu.dma_semaphore, #tpu.memory_space<semaphore_mem>>
      %dma_start3A_111 = arith.constant 0 : i32
      %dma_start3A_112 = tpu.memref_slice %arg4[%mul3A_6, %dma_start3A_111] : memref<128x128xi32, #tpu.memory_space<hbm>> -> memref<4x128xi32, #tpu.memory_space<hbm>>
      %dma_start3A_113 = arith.constant 0 : i32
      %dma_start3A_114 = tpu.memref_slice %arg4[%mul3A_6, %dma_start3A_113] : memref<128x128xi32, #tpu.memory_space<hbm>> -> memref<4x128xi32, #tpu.memory_space<hbm>>
      tpu.enqueue_dma source(%dma_start3A_114 : memref<4x128xi32, #tpu.memory_space<hbm>>) target(%arg8 : memref<4x128xi32, #tpu.memory_space<vmem>>) target_semaphore(%run_scoped3A_110 : memref<!tpu.dma_semaphore, #tpu.memory_space<semaphore_mem>>)
      %dma_wait3A_115 = arith.constant 0 : i32
      %dma_wait3A_116 = tpu.memref_slice %arg4[%mul3A_6, %dma_wait3A_115] : memref<128x128xi32, #tpu.memory_space<hbm>> -> memref<4x128xi32, #tpu.memory_space<hbm>>
      %dma_wait3A_117 = arith.constant 0 : i32
      %dma_wait3A_118 = tpu.memref_slice %arg4[%mul3A_6, %dma_wait3A_117] : memref<128x128xi32, #tpu.memory_space<hbm>> -> memref<4x128xi32, #tpu.memory_space<hbm>>
      tpu.wait_dma2 semaphore(%run_scoped3A_110 : memref<!tpu.dma_semaphore, #tpu.memory_space<semaphore_mem>>) src(%dma_wait3A_118 : memref<4x128xi32, #tpu.memory_space<hbm>>) dst(%arg8 : memref<4x128xi32, #tpu.memory_space<vmem>>)
      tpu.yield
    }) : () -> ()
    %dma_start3A = arith.constant 0 : i32
    %dma_start3A_7 = arith.constant 0 : i32
    %dma_start3A_8 = arith.constant 0 : i32
    %dma_start3A_9 = tpu.memref_slice %arg9[%dma_start3A_7, %dma_start3A_8] : memref<512x32xf32, #tpu.memory_space<vmem>> -> memref<128x32xf32, #tpu.memory_space<vmem>>
    %dma_start3A_10 = arith.constant 0 : i32
    %dma_start3A_11 = tpu.memref_slice %arg8[%dma_start3A, %dma_start3A_10] : memref<4x128xi32, #tpu.memory_space<vmem>> -> memref<1x128xi32, #tpu.memory_space<vmem>>
    %dma_start3A_12 = tpu.memref_squeeze %dma_start3A_11 : memref<1x128xi32, #tpu.memory_space<vmem>> -> memref<128xi32, #tpu.memory_space<vmem>>
    %dma_start3A_13 = arith.constant 0 : i32
    %dma_start3A_14 = arith.constant 0 : i32
    %dma_start3A_15 = tpu.memref_slice %arg3[%dma_start3A_13, %dma_start3A_14] : memref<8192x32xf32, #tpu.memory_space<hbm>> -> memref<8192x32xf32, #tpu.memory_space<hbm>>
    tpu.enqueue_indirect_dma source(%dma_start3A_15 : memref<8192x32xf32, #tpu.memory_space<hbm>>) target(%dma_start3A_9 : memref<128x32xf32, #tpu.memory_space<vmem>>) offsets(%dma_start3A_12 : memref<128xi32, #tpu.memory_space<vmem>>) semaphore(%arg15 : memref<!tpu.dma_semaphore, #tpu.memory_space<semaphore_mem>>)
    %dma_start3A_16 = arith.constant 1 : i32
    %dma_start3A_17 = arith.constant 128 : i32
    %dma_start3A_18 = arith.constant 0 : i32
    %dma_start3A_19 = tpu.memref_slice %arg9[%dma_start3A_17, %dma_start3A_18] : memref<512x32xf32, #tpu.memory_space<vmem>> -> memref<128x32xf32, #tpu.memory_space<vmem>>
    %dma_start3A_20 = arith.constant 0 : i32
    %dma_start3A_21 = tpu.memref_slice %arg8[%dma_start3A_16, %dma_start3A_20] : memref<4x128xi32, #tpu.memory_space<vmem>> -> memref<1x128xi32, #tpu.memory_space<vmem>>
    %dma_start3A_22 = tpu.memref_squeeze %dma_start3A_21 : memref<1x128xi32, #tpu.memory_space<vmem>> -> memref<128xi32, #tpu.memory_space<vmem>>
    %dma_start3A_23 = arith.constant 0 : i32
    %dma_start3A_24 = arith.constant 0 : i32
    %dma_start3A_25 = tpu.memref_slice %arg3[%dma_start3A_23, %dma_start3A_24] : memref<8192x32xf32, #tpu.memory_space<hbm>> -> memref<8192x32xf32, #tpu.memory_space<hbm>>
    tpu.enqueue_indirect_dma source(%dma_start3A_25 : memref<8192x32xf32, #tpu.memory_space<hbm>>) target(%dma_start3A_19 : memref<128x32xf32, #tpu.memory_space<vmem>>) offsets(%dma_start3A_22 : memref<128xi32, #tpu.memory_space<vmem>>) semaphore(%arg15 : memref<!tpu.dma_semaphore, #tpu.memory_space<semaphore_mem>>)
    %dma_start3A_26 = arith.constant 2 : i32
    %dma_start3A_27 = arith.constant 256 : i32
    %dma_start3A_28 = arith.constant 0 : i32
    %dma_start3A_29 = tpu.memref_slice %arg9[%dma_start3A_27, %dma_start3A_28] : memref<512x32xf32, #tpu.memory_space<vmem>> -> memref<128x32xf32, #tpu.memory_space<vmem>>
    %dma_start3A_30 = arith.constant 0 : i32
    %dma_start3A_31 = tpu.memref_slice %arg8[%dma_start3A_26, %dma_start3A_30] : memref<4x128xi32, #tpu.memory_space<vmem>> -> memref<1x128xi32, #tpu.memory_space<vmem>>
    %dma_start3A_32 = tpu.memref_squeeze %dma_start3A_31 : memref<1x128xi32, #tpu.memory_space<vmem>> -> memref<128xi32, #tpu.memory_space<vmem>>
    %dma_start3A_33 = arith.constant 0 : i32
    %dma_start3A_34 = arith.constant 0 : i32
    %dma_start3A_35 = tpu.memref_slice %arg3[%dma_start3A_33, %dma_start3A_34] : memref<8192x32xf32, #tpu.memory_space<hbm>> -> memref<8192x32xf32, #tpu.memory_space<hbm>>
    tpu.enqueue_indirect_dma source(%dma_start3A_35 : memref<8192x32xf32, #tpu.memory_space<hbm>>) target(%dma_start3A_29 : memref<128x32xf32, #tpu.memory_space<vmem>>) offsets(%dma_start3A_32 : memref<128xi32, #tpu.memory_space<vmem>>) semaphore(%arg15 : memref<!tpu.dma_semaphore, #tpu.memory_space<semaphore_mem>>)
    %dma_start3A_36 = arith.constant 3 : i32
    %dma_start3A_37 = arith.constant 384 : i32
    %dma_start3A_38 = arith.constant 0 : i32
    %dma_start3A_39 = tpu.memref_slice %arg9[%dma_start3A_37, %dma_start3A_38] : memref<512x32xf32, #tpu.memory_space<vmem>> -> memref<128x32xf32, #tpu.memory_space<vmem>>
    %dma_start3A_40 = arith.constant 0 : i32
    %dma_start3A_41 = tpu.memref_slice %arg8[%dma_start3A_36, %dma_start3A_40] : memref<4x128xi32, #tpu.memory_space<vmem>> -> memref<1x128xi32, #tpu.memory_space<vmem>>
    %dma_start3A_42 = tpu.memref_squeeze %dma_start3A_41 : memref<1x128xi32, #tpu.memory_space<vmem>> -> memref<128xi32, #tpu.memory_space<vmem>>
    %dma_start3A_43 = arith.constant 0 : i32
    %dma_start3A_44 = arith.constant 0 : i32
    %dma_start3A_45 = tpu.memref_slice %arg3[%dma_start3A_43, %dma_start3A_44] : memref<8192x32xf32, #tpu.memory_space<hbm>> -> memref<8192x32xf32, #tpu.memory_space<hbm>>
    tpu.enqueue_indirect_dma source(%dma_start3A_45 : memref<8192x32xf32, #tpu.memory_space<hbm>>) target(%dma_start3A_39 : memref<128x32xf32, #tpu.memory_space<vmem>>) offsets(%dma_start3A_42 : memref<128xi32, #tpu.memory_space<vmem>>) semaphore(%arg15 : memref<!tpu.dma_semaphore, #tpu.memory_space<semaphore_mem>>)
    "tpu.region"() ({
      %run_scoped3A_110 = tpu.sem_alloc : memref<!tpu.dma_semaphore, #tpu.memory_space<semaphore_mem>>
      %dma_start3A_111 = arith.constant 0 : i32
      %dma_start3A_112 = tpu.memref_slice %arg2[%mul3A_2, %dma_start3A_111] : memref<16384x32xf32, #tpu.memory_space<hbm>> -> memref<512x32xf32, #tpu.memory_space<hbm>>
      %dma_start3A_113 = arith.constant 0 : i32
      %dma_start3A_114 = tpu.memref_slice %arg2[%mul3A_2, %dma_start3A_113] : memref<16384x32xf32, #tpu.memory_space<hbm>> -> memref<512x32xf32, #tpu.memory_space<hbm>>
      tpu.enqueue_dma source(%dma_start3A_114 : memref<512x32xf32, #tpu.memory_space<hbm>>) target(%arg10 : memref<512x32xf32, #tpu.memory_space<vmem>>) target_semaphore(%run_scoped3A_110 : memref<!tpu.dma_semaphore, #tpu.memory_space<semaphore_mem>>)
      %dma_wait3A_115 = arith.constant 0 : i32
      %dma_wait3A_116 = tpu.memref_slice %arg2[%mul3A_2, %dma_wait3A_115] : memref<16384x32xf32, #tpu.memory_space<hbm>> -> memref<512x32xf32, #tpu.memory_space<hbm>>
      %dma_wait3A_117 = arith.constant 0 : i32
      %dma_wait3A_118 = tpu.memref_slice %arg2[%mul3A_2, %dma_wait3A_117] : memref<16384x32xf32, #tpu.memory_space<hbm>> -> memref<512x32xf32, #tpu.memory_space<hbm>>
      tpu.wait_dma2 semaphore(%run_scoped3A_110 : memref<!tpu.dma_semaphore, #tpu.memory_space<semaphore_mem>>) src(%dma_wait3A_118 : memref<512x32xf32, #tpu.memory_space<hbm>>) dst(%arg10 : memref<512x32xf32, #tpu.memory_space<vmem>>)
      tpu.yield
    }) : () -> ()
    %dma_wait3A = arith.constant 0 : i32
    %dma_wait3A_46 = arith.constant 0 : i32
    %dma_wait3A_47 = arith.constant 0 : i32
    %dma_wait3A_48 = tpu.memref_slice %arg9[%dma_wait3A_46, %dma_wait3A_47] : memref<512x32xf32, #tpu.memory_space<vmem>> -> memref<128x32xf32, #tpu.memory_space<vmem>>
    %dma_wait3A_49 = arith.constant 0 : i32
    %dma_wait3A_50 = tpu.memref_slice %arg8[%dma_wait3A, %dma_wait3A_49] : memref<4x128xi32, #tpu.memory_space<vmem>> -> memref<1x128xi32, #tpu.memory_space<vmem>>
    %dma_wait3A_51 = tpu.memref_squeeze %dma_wait3A_50 : memref<1x128xi32, #tpu.memory_space<vmem>> -> memref<128xi32, #tpu.memory_space<vmem>>
    %dma_wait3A_52 = arith.constant 0 : i32
    %dma_wait3A_53 = arith.constant 0 : i32
    %dma_wait3A_54 = tpu.memref_slice %arg3[%dma_wait3A_52, %dma_wait3A_53] : memref<8192x32xf32, #tpu.memory_space<hbm>> -> memref<8192x32xf32, #tpu.memory_space<hbm>>
    tpu.wait_indirect_dma semaphore(%arg15 : memref<!tpu.dma_semaphore, #tpu.memory_space<semaphore_mem>>) src(%dma_wait3A_54 : memref<8192x32xf32, #tpu.memory_space<hbm>>) dst(%dma_wait3A_48 : memref<128x32xf32, #tpu.memory_space<vmem>>)
    %dma_wait3A_55 = arith.constant 1 : i32
    %dma_wait3A_56 = arith.constant 128 : i32
    %dma_wait3A_57 = arith.constant 0 : i32
    %dma_wait3A_58 = tpu.memref_slice %arg9[%dma_wait3A_56, %dma_wait3A_57] : memref<512x32xf32, #tpu.memory_space<vmem>> -> memref<128x32xf32, #tpu.memory_space<vmem>>
    %dma_wait3A_59 = arith.constant 0 : i32
    %dma_wait3A_60 = tpu.memref_slice %arg8[%dma_wait3A_55, %dma_wait3A_59] : memref<4x128xi32, #tpu.memory_space<vmem>> -> memref<1x128xi32, #tpu.memory_space<vmem>>
    %dma_wait3A_61 = tpu.memref_squeeze %dma_wait3A_60 : memref<1x128xi32, #tpu.memory_space<vmem>> -> memref<128xi32, #tpu.memory_space<vmem>>
    %dma_wait3A_62 = arith.constant 0 : i32
    %dma_wait3A_63 = arith.constant 0 : i32
    %dma_wait3A_64 = tpu.memref_slice %arg3[%dma_wait3A_62, %dma_wait3A_63] : memref<8192x32xf32, #tpu.memory_space<hbm>> -> memref<8192x32xf32, #tpu.memory_space<hbm>>
    tpu.wait_indirect_dma semaphore(%arg15 : memref<!tpu.dma_semaphore, #tpu.memory_space<semaphore_mem>>) src(%dma_wait3A_64 : memref<8192x32xf32, #tpu.memory_space<hbm>>) dst(%dma_wait3A_58 : memref<128x32xf32, #tpu.memory_space<vmem>>)
    %dma_wait3A_65 = arith.constant 2 : i32
    %dma_wait3A_66 = arith.constant 256 : i32
    %dma_wait3A_67 = arith.constant 0 : i32
    %dma_wait3A_68 = tpu.memref_slice %arg9[%dma_wait3A_66, %dma_wait3A_67] : memref<512x32xf32, #tpu.memory_space<vmem>> -> memref<128x32xf32, #tpu.memory_space<vmem>>
    %dma_wait3A_69 = arith.constant 0 : i32
    %dma_wait3A_70 = tpu.memref_slice %arg8[%dma_wait3A_65, %dma_wait3A_69] : memref<4x128xi32, #tpu.memory_space<vmem>> -> memref<1x128xi32, #tpu.memory_space<vmem>>
    %dma_wait3A_71 = tpu.memref_squeeze %dma_wait3A_70 : memref<1x128xi32, #tpu.memory_space<vmem>> -> memref<128xi32, #tpu.memory_space<vmem>>
    %dma_wait3A_72 = arith.constant 0 : i32
    %dma_wait3A_73 = arith.constant 0 : i32
    %dma_wait3A_74 = tpu.memref_slice %arg3[%dma_wait3A_72, %dma_wait3A_73] : memref<8192x32xf32, #tpu.memory_space<hbm>> -> memref<8192x32xf32, #tpu.memory_space<hbm>>
    tpu.wait_indirect_dma semaphore(%arg15 : memref<!tpu.dma_semaphore, #tpu.memory_space<semaphore_mem>>) src(%dma_wait3A_74 : memref<8192x32xf32, #tpu.memory_space<hbm>>) dst(%dma_wait3A_68 : memref<128x32xf32, #tpu.memory_space<vmem>>)
    %dma_wait3A_75 = arith.constant 3 : i32
    %dma_wait3A_76 = arith.constant 384 : i32
    %dma_wait3A_77 = arith.constant 0 : i32
    %dma_wait3A_78 = tpu.memref_slice %arg9[%dma_wait3A_76, %dma_wait3A_77] : memref<512x32xf32, #tpu.memory_space<vmem>> -> memref<128x32xf32, #tpu.memory_space<vmem>>
    %dma_wait3A_79 = arith.constant 0 : i32
    %dma_wait3A_80 = tpu.memref_slice %arg8[%dma_wait3A_75, %dma_wait3A_79] : memref<4x128xi32, #tpu.memory_space<vmem>> -> memref<1x128xi32, #tpu.memory_space<vmem>>
    %dma_wait3A_81 = tpu.memref_squeeze %dma_wait3A_80 : memref<1x128xi32, #tpu.memory_space<vmem>> -> memref<128xi32, #tpu.memory_space<vmem>>
    %dma_wait3A_82 = arith.constant 0 : i32
    %dma_wait3A_83 = arith.constant 0 : i32
    %dma_wait3A_84 = tpu.memref_slice %arg3[%dma_wait3A_82, %dma_wait3A_83] : memref<8192x32xf32, #tpu.memory_space<hbm>> -> memref<8192x32xf32, #tpu.memory_space<hbm>>
    tpu.wait_indirect_dma semaphore(%arg15 : memref<!tpu.dma_semaphore, #tpu.memory_space<semaphore_mem>>) src(%dma_wait3A_84 : memref<8192x32xf32, #tpu.memory_space<hbm>>) dst(%dma_wait3A_78 : memref<128x32xf32, #tpu.memory_space<vmem>>)
    %scan3A = arith.constant 0 : i32
    %scan3A_85 = arith.constant 0 : i32
    %scan3A_86 = arith.constant 8 : i32
    %scan3A_87 = arith.addi %scan3A_85, %scan3A_86 : i32
    %scan3A_88 = arith.constant 1 : i32
    %scan3A_89 = scf.for %scan3A_110 = %scan3A_85 to %scan3A_87 step %scan3A_88 iter_args(%scan3A_111 = %scan3A) -> (i32)  : i32 {
      %broadcast_in_dim3A_112 = arith.constant 1.000000e+00 : f32
      %broadcast_in_dim3A_113 = vector.broadcast %broadcast_in_dim3A_112 : f32 to vector<16xf32>
      %mul3A_114 = arith.constant 16 : i32
      %mul3A_115 = arith.muli %scan3A_110, %mul3A_114 : i32
      %swap3A_116 = arith.index_cast %mul3A_115 : i32 to index
      %swap3A_117 = tpu.vector_load %arg11[%swap3A_116] {strides = array<i32>} : memref<128xf32, #tpu.memory_space<vmem>>, vector<16xf32>,
      %swap3A_118 = vector.shape_cast %swap3A_117 : vector<16xf32> to vector<16xf32>
      %swap3A_119 = vector.shape_cast %broadcast_in_dim3A_113 : vector<16xf32> to vector<16xf32>
      tpu.vector_store %arg11[%swap3A_116], %swap3A_119 {strides = array<i32>} : memref<128xf32, #tpu.memory_space<vmem>>, vector<16xf32>,
      %scan3A_120 = arith.constant 0 : i32
      scf.yield %scan3A_120 : i32
    }
    %scan3A_90 = arith.constant 8 : i32
    %barrier3A = arith.constant 0 : index
    tpu.barrier barrier_id(%barrier3A)
    %run_scoped3A = arith.constant 0 : i32
    "tpu.region"() ({
      %run_scoped3A_110 = tpu.sem_alloc : memref<!tpu.dma_semaphore, #tpu.memory_space<semaphore_mem>>
      %dma_start3A_111 = arith.constant 0 : i32
      %dma_start3A_112 = tpu.memref_slice %arg8[%run_scoped3A, %dma_start3A_111] : memref<4x128xi32, #tpu.memory_space<vmem>> -> memref<1x128xi32, #tpu.memory_space<vmem>>
      %dma_start3A_113 = tpu.memref_squeeze %dma_start3A_112 : memref<1x128xi32, #tpu.memory_space<vmem>> -> memref<128xi32, #tpu.memory_space<vmem>>
      %dma_start3A_114 = arith.constant 0 : i32
      %dma_start3A_115 = tpu.memref_slice %arg14[%dma_start3A_114] : memref<8192xf32, #tpu.memory_space<vmem_shared>> -> memref<8192xf32, #tpu.memory_space<vmem_shared>>
      tpu.enqueue_indirect_dma source(%arg11 : memref<128xf32, #tpu.memory_space<vmem>>) target(%dma_start3A_115 : memref<8192xf32, #tpu.memory_space<vmem_shared>>) offsets(%dma_start3A_113 : memref<128xi32, #tpu.memory_space<vmem>>) semaphore(%run_scoped3A_110 : memref<!tpu.dma_semaphore, #tpu.memory_space<semaphore_mem>>) {add = true}
      %dma_wait3A_116 = arith.constant 0 : i32
      %dma_wait3A_117 = tpu.memref_slice %arg8[%run_scoped3A, %dma_wait3A_116] : memref<4x128xi32, #tpu.memory_space<vmem>> -> memref<1x128xi32, #tpu.memory_space<vmem>>
      %dma_wait3A_118 = tpu.memref_squeeze %dma_wait3A_117 : memref<1x128xi32, #tpu.memory_space<vmem>> -> memref<128xi32, #tpu.memory_space<vmem>>
      %dma_wait3A_119 = arith.constant 0 : i32
      %dma_wait3A_120 = tpu.memref_slice %arg14[%dma_wait3A_119] : memref<8192xf32, #tpu.memory_space<vmem_shared>> -> memref<8192xf32, #tpu.memory_space<vmem_shared>>
      tpu.wait_indirect_dma semaphore(%run_scoped3A_110 : memref<!tpu.dma_semaphore, #tpu.memory_space<semaphore_mem>>) src(%arg11 : memref<128xf32, #tpu.memory_space<vmem>>) dst(%dma_wait3A_120 : memref<8192xf32, #tpu.memory_space<vmem_shared>>)
      tpu.yield
    }) : () -> ()
    %run_scoped3A_91 = arith.constant 1 : i32
    "tpu.region"() ({
      %run_scoped3A_110 = tpu.sem_alloc : memref<!tpu.dma_semaphore, #tpu.memory_space<semaphore_mem>>
      %dma_start3A_111 = arith.constant 0 : i32
      %dma_start3A_112 = tpu.memref_slice %arg8[%run_scoped3A_91, %dma_start3A_111] : memref<4x128xi32, #tpu.memory_space<vmem>> -> memref<1x128xi32, #tpu.memory_space<vmem>>
      %dma_start3A_113 = tpu.memref_squeeze %dma_start3A_112 : memref<1x128xi32, #tpu.memory_space<vmem>> -> memref<128xi32, #tpu.memory_space<vmem>>
      %dma_start3A_114 = arith.constant 0 : i32
      %dma_start3A_115 = tpu.memref_slice %arg14[%dma_start3A_114] : memref<8192xf32, #tpu.memory_space<vmem_shared>> -> memref<8192xf32, #tpu.memory_space<vmem_shared>>
      tpu.enqueue_indirect_dma source(%arg11 : memref<128xf32, #tpu.memory_space<vmem>>) target(%dma_start3A_115 : memref<8192xf32, #tpu.memory_space<vmem_shared>>) offsets(%dma_start3A_113 : memref<128xi32, #tpu.memory_space<vmem>>) semaphore(%run_scoped3A_110 : memref<!tpu.dma_semaphore, #tpu.memory_space<semaphore_mem>>) {add = true}
      %dma_wait3A_116 = arith.constant 0 : i32
      %dma_wait3A_117 = tpu.memref_slice %arg8[%run_scoped3A_91, %dma_wait3A_116] : memref<4x128xi32, #tpu.memory_space<vmem>> -> memref<1x128xi32, #tpu.memory_space<vmem>>
      %dma_wait3A_118 = tpu.memref_squeeze %dma_wait3A_117 : memref<1x128xi32, #tpu.memory_space<vmem>> -> memref<128xi32, #tpu.memory_space<vmem>>
      %dma_wait3A_119 = arith.constant 0 : i32
      %dma_wait3A_120 = tpu.memref_slice %arg14[%dma_wait3A_119] : memref<8192xf32, #tpu.memory_space<vmem_shared>> -> memref<8192xf32, #tpu.memory_space<vmem_shared>>
      tpu.wait_indirect_dma semaphore(%run_scoped3A_110 : memref<!tpu.dma_semaphore, #tpu.memory_space<semaphore_mem>>) src(%arg11 : memref<128xf32, #tpu.memory_space<vmem>>) dst(%dma_wait3A_120 : memref<8192xf32, #tpu.memory_space<vmem_shared>>)
      tpu.yield
    }) : () -> ()
    %run_scoped3A_92 = arith.constant 2 : i32
    "tpu.region"() ({
      %run_scoped3A_110 = tpu.sem_alloc : memref<!tpu.dma_semaphore, #tpu.memory_space<semaphore_mem>>
      %dma_start3A_111 = arith.constant 0 : i32
      %dma_start3A_112 = tpu.memref_slice %arg8[%run_scoped3A_92, %dma_start3A_111] : memref<4x128xi32, #tpu.memory_space<vmem>> -> memref<1x128xi32, #tpu.memory_space<vmem>>
      %dma_start3A_113 = tpu.memref_squeeze %dma_start3A_112 : memref<1x128xi32, #tpu.memory_space<vmem>> -> memref<128xi32, #tpu.memory_space<vmem>>
      %dma_start3A_114 = arith.constant 0 : i32
      %dma_start3A_115 = tpu.memref_slice %arg14[%dma_start3A_114] : memref<8192xf32, #tpu.memory_space<vmem_shared>> -> memref<8192xf32, #tpu.memory_space<vmem_shared>>
      tpu.enqueue_indirect_dma source(%arg11 : memref<128xf32, #tpu.memory_space<vmem>>) target(%dma_start3A_115 : memref<8192xf32, #tpu.memory_space<vmem_shared>>) offsets(%dma_start3A_113 : memref<128xi32, #tpu.memory_space<vmem>>) semaphore(%run_scoped3A_110 : memref<!tpu.dma_semaphore, #tpu.memory_space<semaphore_mem>>) {add = true}
      %dma_wait3A_116 = arith.constant 0 : i32
      %dma_wait3A_117 = tpu.memref_slice %arg8[%run_scoped3A_92, %dma_wait3A_116] : memref<4x128xi32, #tpu.memory_space<vmem>> -> memref<1x128xi32, #tpu.memory_space<vmem>>
      %dma_wait3A_118 = tpu.memref_squeeze %dma_wait3A_117 : memref<1x128xi32, #tpu.memory_space<vmem>> -> memref<128xi32, #tpu.memory_space<vmem>>
      %dma_wait3A_119 = arith.constant 0 : i32
      %dma_wait3A_120 = tpu.memref_slice %arg14[%dma_wait3A_119] : memref<8192xf32, #tpu.memory_space<vmem_shared>> -> memref<8192xf32, #tpu.memory_space<vmem_shared>>
      tpu.wait_indirect_dma semaphore(%run_scoped3A_110 : memref<!tpu.dma_semaphore, #tpu.memory_space<semaphore_mem>>) src(%arg11 : memref<128xf32, #tpu.memory_space<vmem>>) dst(%dma_wait3A_120 : memref<8192xf32, #tpu.memory_space<vmem_shared>>)
      tpu.yield
    }) : () -> ()
    %run_scoped3A_93 = arith.constant 3 : i32
    "tpu.region"() ({
      %run_scoped3A_110 = tpu.sem_alloc : memref<!tpu.dma_semaphore, #tpu.memory_space<semaphore_mem>>
      %dma_start3A_111 = arith.constant 0 : i32
      %dma_start3A_112 = tpu.memref_slice %arg8[%run_scoped3A_93, %dma_start3A_111] : memref<4x128xi32, #tpu.memory_space<vmem>> -> memref<1x128xi32, #tpu.memory_space<vmem>>
      %dma_start3A_113 = tpu.memref_squeeze %dma_start3A_112 : memref<1x128xi32, #tpu.memory_space<vmem>> -> memref<128xi32, #tpu.memory_space<vmem>>
      %dma_start3A_114 = arith.constant 0 : i32
      %dma_start3A_115 = tpu.memref_slice %arg14[%dma_start3A_114] : memref<8192xf32, #tpu.memory_space<vmem_shared>> -> memref<8192xf32, #tpu.memory_space<vmem_shared>>
      tpu.enqueue_indirect_dma source(%arg11 : memref<128xf32, #tpu.memory_space<vmem>>) target(%dma_start3A_115 : memref<8192xf32, #tpu.memory_space<vmem_shared>>) offsets(%dma_start3A_113 : memref<128xi32, #tpu.memory_space<vmem>>) semaphore(%run_scoped3A_110 : memref<!tpu.dma_semaphore, #tpu.memory_space<semaphore_mem>>) {add = true}
      %dma_wait3A_116 = arith.constant 0 : i32
      %dma_wait3A_117 = tpu.memref_slice %arg8[%run_scoped3A_93, %dma_wait3A_116] : memref<4x128xi32, #tpu.memory_space<vmem>> -> memref<1x128xi32, #tpu.memory_space<vmem>>
      %dma_wait3A_118 = tpu.memref_squeeze %dma_wait3A_117 : memref<1x128xi32, #tpu.memory_space<vmem>> -> memref<128xi32, #tpu.memory_space<vmem>>
      %dma_wait3A_119 = arith.constant 0 : i32
      %dma_wait3A_120 = tpu.memref_slice %arg14[%dma_wait3A_119] : memref<8192xf32, #tpu.memory_space<vmem_shared>> -> memref<8192xf32, #tpu.memory_space<vmem_shared>>
      tpu.wait_indirect_dma semaphore(%run_scoped3A_110 : memref<!tpu.dma_semaphore, #tpu.memory_space<semaphore_mem>>) src(%arg11 : memref<128xf32, #tpu.memory_space<vmem>>) dst(%dma_wait3A_120 : memref<8192xf32, #tpu.memory_space<vmem_shared>>)
      tpu.yield
    }) : () -> ()
    %broadcast_in_dim3A = arith.constant 0.000000e+00 : f32
    %broadcast_in_dim3A_94 = vector.broadcast %broadcast_in_dim3A : f32 to vector<16xf32>
    %scan3A_95 = arith.constant 0 : i32
    %scan3A_96 = arith.constant 512 : i32
    %scan3A_97 = arith.addi %scan3A_95, %scan3A_96 : i32
    %scan3A_98 = arith.constant 1 : i32
    %scan3A_99 = scf.for %scan3A_110 = %scan3A_95 to %scan3A_97 step %scan3A_98 iter_args(%scan3A_111 = %broadcast_in_dim3A_94) -> (vector<16xf32>)  : i32 {
      %get3A = arith.index_cast %scan3A_110 : i32 to index
      %get3A_112 = arith.constant 0 : index
      %get3A_113 = tpu.vector_load %arg9[%get3A, %get3A_112] {strides = array<i32>} : memref<512x32xf32, #tpu.memory_space<vmem>>, vector<1x16xf32>,
      %get3A_114 = vector.shape_cast %get3A_113 : vector<1x16xf32> to vector<16xf32>
      %get3A_115 = arith.index_cast %scan3A_110 : i32 to index
      %get3A_116 = arith.constant 0 : index
      %get3A_117 = tpu.vector_load %arg10[%get3A_115, %get3A_116] {strides = array<i32>} : memref<512x32xf32, #tpu.memory_space<vmem>>, vector<1x16xf32>,
      %get3A_118 = vector.shape_cast %get3A_117 : vector<1x16xf32> to vector<16xf32>
      %sub3A = arith.subf %get3A_114, %get3A_118 : vector<16xf32>
      %add3A_119 = arith.addf %get3A_118, %sub3A : vector<16xf32>
      %swap3A_120 = arith.index_cast %scan3A_110 : i32 to index
      %swap3A_121 = arith.constant 0 : index
      %swap3A_122 = tpu.vector_load %arg10[%swap3A_120, %swap3A_121] {strides = array<i32>} : memref<512x32xf32, #tpu.memory_space<vmem>>, vector<1x16xf32>,
      %swap3A_123 = vector.shape_cast %swap3A_122 : vector<1x16xf32> to vector<16xf32>
      %swap3A_124 = vector.shape_cast %add3A_119 : vector<16xf32> to vector<1x16xf32>
      tpu.vector_store %arg10[%swap3A_120, %swap3A_121], %swap3A_124 {strides = array<i32>} : memref<512x32xf32, #tpu.memory_space<vmem>>, vector<1x16xf32>,
      %mul3A_125 = arith.mulf %sub3A, %sub3A : vector<16xf32>
      %add3A_126 = arith.addf %scan3A_111, %mul3A_125 : vector<16xf32>
      %get3A_127 = arith.index_cast %scan3A_110 : i32 to index
      %get3A_128 = arith.constant 16 : index
      %get3A_129 = tpu.vector_load %arg9[%get3A_127, %get3A_128] {strides = array<i32>} : memref<512x32xf32, #tpu.memory_space<vmem>>, vector<1x16xf32>,
      %get3A_130 = vector.shape_cast %get3A_129 : vector<1x16xf32> to vector<16xf32>
      %get3A_131 = arith.index_cast %scan3A_110 : i32 to index
      %get3A_132 = arith.constant 16 : index
      %get3A_133 = tpu.vector_load %arg10[%get3A_131, %get3A_132] {strides = array<i32>} : memref<512x32xf32, #tpu.memory_space<vmem>>, vector<1x16xf32>,
      %get3A_134 = vector.shape_cast %get3A_133 : vector<1x16xf32> to vector<16xf32>
      %sub3A_135 = arith.subf %get3A_130, %get3A_134 : vector<16xf32>
      %add3A_136 = arith.addf %get3A_134, %sub3A_135 : vector<16xf32>
      %swap3A_137 = arith.index_cast %scan3A_110 : i32 to index
      %swap3A_138 = arith.constant 16 : index
      %swap3A_139 = tpu.vector_load %arg10[%swap3A_137, %swap3A_138] {strides = array<i32>} : memref<512x32xf32, #tpu.memory_space<vmem>>, vector<1x16xf32>,
      %swap3A_140 = vector.shape_cast %swap3A_139 : vector<1x16xf32> to vector<16xf32>
      %swap3A_141 = vector.shape_cast %add3A_136 : vector<16xf32> to vector<1x16xf32>
      tpu.vector_store %arg10[%swap3A_137, %swap3A_138], %swap3A_141 {strides = array<i32>} : memref<512x32xf32, #tpu.memory_space<vmem>>, vector<1x16xf32>,
      %mul3A_142 = arith.mulf %sub3A_135, %sub3A_135 : vector<16xf32>
      %add3A_143 = arith.addf %add3A_126, %mul3A_142 : vector<16xf32>
      scf.yield %add3A_143 : vector<16xf32>
    }
    %scan3A_100 = arith.constant 512 : i32
    %swap3A = arith.constant 0 : index
    %swap3A_101 = tpu.vector_load %arg13[%swap3A] {strides = array<i32>} : memref<16xf32, #tpu.memory_space<vmem>>, vector<16xf32>,
    %swap3A_102 = vector.shape_cast %swap3A_101 : vector<16xf32> to vector<16xf32>
    %swap3A_103 = vector.shape_cast %scan3A_99 : vector<16xf32> to vector<16xf32>
    tpu.vector_store %arg13[%swap3A], %swap3A_103 {strides = array<i32>} : memref<16xf32, #tpu.memory_space<vmem>>, vector<16xf32>,
    "tpu.region"() ({
      %run_scoped3A_110 = tpu.sem_alloc : memref<!tpu.dma_semaphore, #tpu.memory_space<semaphore_mem>>
      %dma_start3A_111 = arith.constant 0 : i32
      %dma_start3A_112 = tpu.memref_slice %arg5[%mul3A_2, %dma_start3A_111] : memref<16384x32xf32, #tpu.memory_space<hbm>> -> memref<512x32xf32, #tpu.memory_space<hbm>>
      %dma_start3A_113 = arith.constant 0 : i32
      %dma_start3A_114 = tpu.memref_slice %arg5[%mul3A_2, %dma_start3A_113] : memref<16384x32xf32, #tpu.memory_space<hbm>> -> memref<512x32xf32, #tpu.memory_space<hbm>>
      tpu.enqueue_dma source(%arg10 : memref<512x32xf32, #tpu.memory_space<vmem>>) target(%dma_start3A_114 : memref<512x32xf32, #tpu.memory_space<hbm>>) target_semaphore(%run_scoped3A_110 : memref<!tpu.dma_semaphore, #tpu.memory_space<semaphore_mem>>)
      %dma_wait3A_115 = arith.constant 0 : i32
      %dma_wait3A_116 = tpu.memref_slice %arg5[%mul3A_2, %dma_wait3A_115] : memref<16384x32xf32, #tpu.memory_space<hbm>> -> memref<512x32xf32, #tpu.memory_space<hbm>>
      %dma_wait3A_117 = arith.constant 0 : i32
      %dma_wait3A_118 = tpu.memref_slice %arg5[%mul3A_2, %dma_wait3A_117] : memref<16384x32xf32, #tpu.memory_space<hbm>> -> memref<512x32xf32, #tpu.memory_space<hbm>>
      tpu.wait_dma2 semaphore(%run_scoped3A_110 : memref<!tpu.dma_semaphore, #tpu.memory_space<semaphore_mem>>) src(%arg10 : memref<512x32xf32, #tpu.memory_space<vmem>>) dst(%dma_wait3A_118 : memref<512x32xf32, #tpu.memory_space<hbm>>)
      tpu.yield
    }) : () -> ()
    "tpu.region"() ({
      %run_scoped3A_110 = tpu.sem_alloc : memref<!tpu.dma_semaphore, #tpu.memory_space<semaphore_mem>>
      %dma_start3A_111 = arith.constant 0 : i32
      %dma_start3A_112 = tpu.memref_slice %arg7[%add3A, %dma_start3A_111] : memref<32x16xf32, #tpu.memory_space<hbm>> -> memref<1x16xf32, #tpu.memory_space<hbm>>
      %dma_start3A_113 = tpu.memref_squeeze %dma_start3A_112 : memref<1x16xf32, #tpu.memory_space<hbm>> -> memref<16xf32, #tpu.memory_space<hbm>>
      %dma_start3A_114 = arith.constant 0 : i32
      %dma_start3A_115 = tpu.memref_slice %arg7[%add3A, %dma_start3A_114] : memref<32x16xf32, #tpu.memory_space<hbm>> -> memref<1x16xf32, #tpu.memory_space<hbm>>
      %dma_start3A_116 = tpu.memref_squeeze %dma_start3A_115 : memref<1x16xf32, #tpu.memory_space<hbm>> -> memref<16xf32, #tpu.memory_space<hbm>>
      tpu.enqueue_dma source(%arg13 : memref<16xf32, #tpu.memory_space<vmem>>) target(%dma_start3A_116 : memref<16xf32, #tpu.memory_space<hbm>>) target_semaphore(%run_scoped3A_110 : memref<!tpu.dma_semaphore, #tpu.memory_space<semaphore_mem>>)
      %dma_wait3A_117 = arith.constant 0 : i32
      %dma_wait3A_118 = tpu.memref_slice %arg7[%add3A, %dma_wait3A_117] : memref<32x16xf32, #tpu.memory_space<hbm>> -> memref<1x16xf32, #tpu.memory_space<hbm>>
      %dma_wait3A_119 = tpu.memref_squeeze %dma_wait3A_118 : memref<1x16xf32, #tpu.memory_space<hbm>> -> memref<16xf32, #tpu.memory_space<hbm>>
      %dma_wait3A_120 = arith.constant 0 : i32
      %dma_wait3A_121 = tpu.memref_slice %arg7[%add3A, %dma_wait3A_120] : memref<32x16xf32, #tpu.memory_space<hbm>> -> memref<1x16xf32, #tpu.memory_space<hbm>>
      %dma_wait3A_122 = tpu.memref_squeeze %dma_wait3A_121 : memref<1x16xf32, #tpu.memory_space<hbm>> -> memref<16xf32, #tpu.memory_space<hbm>>
      tpu.wait_dma2 semaphore(%run_scoped3A_110 : memref<!tpu.dma_semaphore, #tpu.memory_space<semaphore_mem>>) src(%arg13 : memref<16xf32, #tpu.memory_space<vmem>>) dst(%dma_wait3A_122 : memref<16xf32, #tpu.memory_space<hbm>>)
      tpu.yield
    }) : () -> ()
    %barrier3A_104 = arith.constant 0 : index
    tpu.barrier barrier_id(%barrier3A_104)
    %eq3A_105 = arith.constant 0 : i32
    %eq3A_106 = arith.cmpi eq, %arg1, %eq3A_105 : i32
    %convert_element_type3A_107 = arith.extui %eq3A_106 : i1 to i32
    %cond3A_108 = arith.constant 0 : i32
    %cond3A_109 = arith.cmpi ne, %convert_element_type3A_107, %cond3A_108 : i32
    scf.if %cond3A_109 {
      "tpu.region"() ({
        %run_scoped3A_110 = tpu.sem_alloc : memref<!tpu.dma_semaphore, #tpu.memory_space<semaphore_mem>>
        %dma_start3A_111 = arith.constant 0 : i32
        %dma_start3A_112 = tpu.memref_slice %arg6[%arg0, %dma_start3A_111] : memref<2x8192xf32, #tpu.memory_space<hbm>> -> memref<1x8192xf32, #tpu.memory_space<hbm>>
        %dma_start3A_113 = tpu.memref_squeeze %dma_start3A_112 : memref<1x8192xf32, #tpu.memory_space<hbm>> -> memref<8192xf32, #tpu.memory_space<hbm>>
        tpu.enqueue_dma source(%arg14 : memref<8192xf32, #tpu.memory_space<vmem_shared>>) target(%dma_start3A_113 : memref<8192xf32, #tpu.memory_space<hbm>>) target_semaphore(%run_scoped3A_110 : memref<!tpu.dma_semaphore, #tpu.memory_space<semaphore_mem>>)
        %dma_wait3A_114 = arith.constant 0 : i32
        %dma_wait3A_115 = tpu.memref_slice %arg6[%arg0, %dma_wait3A_114] : memref<2x8192xf32, #tpu.memory_space<hbm>> -> memref<1x8192xf32, #tpu.memory_space<hbm>>
        %dma_wait3A_116 = tpu.memref_squeeze %dma_wait3A_115 : memref<1x8192xf32, #tpu.memory_space<hbm>> -> memref<8192xf32, #tpu.memory_space<hbm>>
        tpu.wait_dma2 semaphore(%run_scoped3A_110 : memref<!tpu.dma_semaphore, #tpu.memory_space<semaphore_mem>>) src(%arg14 : memref<8192xf32, #tpu.memory_space<vmem_shared>>) dst(%dma_wait3A_116 : memref<8192xf32, #tpu.memory_space<hbm>>)
        tpu.yield
      }) : () -> ()
    } else {
    }
    return
  }
}

module attributes {stable_mosaic.version = 14 : i64} {
  func.func @_argmin_kernel(%arg0: i32, %arg1: memref<256x32xf32, #tpu.memory_space<vmem>>, %arg2: memref<8192x32xf32, #tpu.memory_space<vmem>>, %arg3: memref<1x8192xf32, #tpu.memory_space<vmem>>, %arg4: memref<256x1xi32, #tpu.memory_space<vmem>>) attributes {dimension_semantics = [#tpu.dimension_semantics<arbitrary>], iteration_bounds = array<i64: 64>, scalar_prefetch = 0 : i64, scratch_operands = 0 : i64, tpu.core_type = #tpu.core_type<tc>, window_params = [{transform_indices = @transform_0, window_bounds = array<i64: 256, 32>}, {pipeline_mode = #tpu.pipeline_mode<synchronous>, transform_indices = @transform_1, window_bounds = array<i64: 8192, 32>}, {pipeline_mode = #tpu.pipeline_mode<synchronous>, transform_indices = @transform_2, window_bounds = array<i64: 1, 8192>}, {transform_indices = @transform_3, window_bounds = array<i64: 256, 1>}]} {
    %get3A = arith.constant 0 : index
    %get3A_0 = arith.constant 0 : index
    %get3A_1 = vector.load %arg1[%get3A, %get3A_0] : memref<256x32xf32, #tpu.memory_space<vmem>>, vector<256x32xf32>
    %convert_element_type3A = arith.truncf %get3A_1 : vector<256x32xf32> to vector<256x32xbf16>
    %broadcast_in_dim3A = arith.constant 0x7F800000 : f32
    %broadcast_in_dim3A_2 = vector.broadcast %broadcast_in_dim3A : f32 to vector<256x1xf32>
    %broadcast_in_dim3A_3 = arith.constant 0 : i32
    %broadcast_in_dim3A_4 = vector.broadcast %broadcast_in_dim3A_3 : i32 to vector<256x1xi32>
    %iota3A = tpu.iota {dimensions = array<i32: 1>} : vector<256x2048xi32>
    %get3A_5 = arith.constant 0 : index
    %get3A_6 = arith.constant 0 : index
    %get3A_7 = vector.load %arg2[%get3A_5, %get3A_6] : memref<8192x32xf32, #tpu.memory_space<vmem>>, vector<2048x32xf32>
    %get3A_8 = arith.constant 0 : index
    %get3A_9 = arith.constant 0 : index
    %get3A_10 = vector.load %arg3[%get3A_8, %get3A_9] : memref<1x8192xf32, #tpu.memory_space<vmem>>, vector<1x2048xf32>
    %convert_element_type3A_11 = arith.truncf %get3A_7 : vector<2048x32xf32> to vector<2048x32xbf16>
    %dot_general3A = arith.constant dense<0.000000e+00> : vector<256x2048xf32>
    %dot_general3A_12 = tpu.matmul %convert_element_type3A, %convert_element_type3A_11, %dot_general3A {dimension_numbers = #tpu.dot_dimension_numbers<[1], [1], [0], [0], [0, 0, 1, 0], [], []>, transpose_lhs_hint = false} : vector<256x32xbf16>, vector<2048x32xbf16>, vector<256x2048xf32> -> vector<256x2048xf32>
    %add3A = vector.broadcast %get3A_10 : vector<1x2048xf32> to vector<256x2048xf32>
    %add3A_13 = arith.addf %add3A, %dot_general3A_12 : vector<256x2048xf32>
    %reduce_min3A = arith.constant dense<0x7F800000> : vector<256xf32>
    %reduce_min3A_14 = vector.multi_reduction <minimumf>, %add3A_13, %reduce_min3A [1] : vector<256x2048xf32> to vector<256xf32>
    %broadcast_in_dim3A_15 = vector.shape_cast %reduce_min3A_14 : vector<256xf32> to vector<256x1xf32>
    %eq3A = vector.broadcast %broadcast_in_dim3A_15 : vector<256x1xf32> to vector<256x2048xf32>
    %eq3A_16 = arith.cmpf oeq, %add3A_13, %eq3A : vector<256x2048xf32>
    %jit3A = arith.constant 8192 : i32
    %broadcast_in_dim3A_17 = vector.broadcast %jit3A : i32 to vector<256x2048xi32>
    %select_n3A = arith.select %eq3A_16, %iota3A, %broadcast_in_dim3A_17 : vector<256x2048xi1>, vector<256x2048xi32>
    %reduce_min3A_18 = arith.constant dense<2147483647> : vector<256xi32>
    %reduce_min3A_19 = vector.multi_reduction <minsi>, %select_n3A, %reduce_min3A_18 [1] : vector<256x2048xi32> to vector<256xi32>
    %broadcast_in_dim3A_20 = vector.shape_cast %reduce_min3A_19 : vector<256xi32> to vector<256x1xi32>
    %lt3A = arith.cmpf olt, %broadcast_in_dim3A_15, %broadcast_in_dim3A_2 : vector<256x1xf32>
    %select_n3A_21 = arith.select %lt3A, %broadcast_in_dim3A_15, %broadcast_in_dim3A_2 : vector<256x1xi1>, vector<256x1xf32>
    %add3A_22 = arith.constant 0 : i32
    %add3A_23 = vector.broadcast %add3A_22 : i32 to vector<256x1xi32>
    %add3A_24 = arith.addi %broadcast_in_dim3A_20, %add3A_23 : vector<256x1xi32>
    %select_n3A_25 = arith.select %lt3A, %add3A_24, %broadcast_in_dim3A_4 : vector<256x1xi1>, vector<256x1xi32>
    %get3A_26 = arith.constant 2048 : index
    %get3A_27 = arith.constant 0 : index
    %get3A_28 = vector.load %arg2[%get3A_26, %get3A_27] : memref<8192x32xf32, #tpu.memory_space<vmem>>, vector<2048x32xf32>
    %get3A_29 = arith.constant 0 : index
    %get3A_30 = arith.constant 2048 : index
    %get3A_31 = vector.load %arg3[%get3A_29, %get3A_30] : memref<1x8192xf32, #tpu.memory_space<vmem>>, vector<1x2048xf32>
    %convert_element_type3A_32 = arith.truncf %get3A_28 : vector<2048x32xf32> to vector<2048x32xbf16>
    %dot_general3A_33 = arith.constant dense<0.000000e+00> : vector<256x2048xf32>
    %dot_general3A_34 = tpu.matmul %convert_element_type3A, %convert_element_type3A_32, %dot_general3A_33 {dimension_numbers = #tpu.dot_dimension_numbers<[1], [1], [0], [0], [0, 0, 1, 0], [], []>, transpose_lhs_hint = false} : vector<256x32xbf16>, vector<2048x32xbf16>, vector<256x2048xf32> -> vector<256x2048xf32>
    %add3A_35 = vector.broadcast %get3A_31 : vector<1x2048xf32> to vector<256x2048xf32>
    %add3A_36 = arith.addf %add3A_35, %dot_general3A_34 : vector<256x2048xf32>
    %reduce_min3A_37 = arith.constant dense<0x7F800000> : vector<256xf32>
    %reduce_min3A_38 = vector.multi_reduction <minimumf>, %add3A_36, %reduce_min3A_37 [1] : vector<256x2048xf32> to vector<256xf32>
    %broadcast_in_dim3A_39 = vector.shape_cast %reduce_min3A_38 : vector<256xf32> to vector<256x1xf32>
    %eq3A_40 = vector.broadcast %broadcast_in_dim3A_39 : vector<256x1xf32> to vector<256x2048xf32>
    %eq3A_41 = arith.cmpf oeq, %add3A_36, %eq3A_40 : vector<256x2048xf32>
    %jit3A_42 = arith.constant 8192 : i32
    %broadcast_in_dim3A_43 = vector.broadcast %jit3A_42 : i32 to vector<256x2048xi32>
    %select_n3A_44 = arith.select %eq3A_41, %iota3A, %broadcast_in_dim3A_43 : vector<256x2048xi1>, vector<256x2048xi32>
    %reduce_min3A_45 = arith.constant dense<2147483647> : vector<256xi32>
    %reduce_min3A_46 = vector.multi_reduction <minsi>, %select_n3A_44, %reduce_min3A_45 [1] : vector<256x2048xi32> to vector<256xi32>
    %broadcast_in_dim3A_47 = vector.shape_cast %reduce_min3A_46 : vector<256xi32> to vector<256x1xi32>
    %lt3A_48 = arith.cmpf olt, %broadcast_in_dim3A_39, %select_n3A_21 : vector<256x1xf32>
    %select_n3A_49 = arith.select %lt3A_48, %broadcast_in_dim3A_39, %select_n3A_21 : vector<256x1xi1>, vector<256x1xf32>
    %add3A_50 = arith.constant 2048 : i32
    %add3A_51 = vector.broadcast %add3A_50 : i32 to vector<256x1xi32>
    %add3A_52 = arith.addi %broadcast_in_dim3A_47, %add3A_51 : vector<256x1xi32>
    %select_n3A_53 = arith.select %lt3A_48, %add3A_52, %select_n3A_25 : vector<256x1xi1>, vector<256x1xi32>
    %get3A_54 = arith.constant 4096 : index
    %get3A_55 = arith.constant 0 : index
    %get3A_56 = vector.load %arg2[%get3A_54, %get3A_55] : memref<8192x32xf32, #tpu.memory_space<vmem>>, vector<2048x32xf32>
    %get3A_57 = arith.constant 0 : index
    %get3A_58 = arith.constant 4096 : index
    %get3A_59 = vector.load %arg3[%get3A_57, %get3A_58] : memref<1x8192xf32, #tpu.memory_space<vmem>>, vector<1x2048xf32>
    %convert_element_type3A_60 = arith.truncf %get3A_56 : vector<2048x32xf32> to vector<2048x32xbf16>
    %dot_general3A_61 = arith.constant dense<0.000000e+00> : vector<256x2048xf32>
    %dot_general3A_62 = tpu.matmul %convert_element_type3A, %convert_element_type3A_60, %dot_general3A_61 {dimension_numbers = #tpu.dot_dimension_numbers<[1], [1], [0], [0], [0, 0, 1, 0], [], []>, transpose_lhs_hint = false} : vector<256x32xbf16>, vector<2048x32xbf16>, vector<256x2048xf32> -> vector<256x2048xf32>
    %add3A_63 = vector.broadcast %get3A_59 : vector<1x2048xf32> to vector<256x2048xf32>
    %add3A_64 = arith.addf %add3A_63, %dot_general3A_62 : vector<256x2048xf32>
    %reduce_min3A_65 = arith.constant dense<0x7F800000> : vector<256xf32>
    %reduce_min3A_66 = vector.multi_reduction <minimumf>, %add3A_64, %reduce_min3A_65 [1] : vector<256x2048xf32> to vector<256xf32>
    %broadcast_in_dim3A_67 = vector.shape_cast %reduce_min3A_66 : vector<256xf32> to vector<256x1xf32>
    %eq3A_68 = vector.broadcast %broadcast_in_dim3A_67 : vector<256x1xf32> to vector<256x2048xf32>
    %eq3A_69 = arith.cmpf oeq, %add3A_64, %eq3A_68 : vector<256x2048xf32>
    %jit3A_70 = arith.constant 8192 : i32
    %broadcast_in_dim3A_71 = vector.broadcast %jit3A_70 : i32 to vector<256x2048xi32>
    %select_n3A_72 = arith.select %eq3A_69, %iota3A, %broadcast_in_dim3A_71 : vector<256x2048xi1>, vector<256x2048xi32>
    %reduce_min3A_73 = arith.constant dense<2147483647> : vector<256xi32>
    %reduce_min3A_74 = vector.multi_reduction <minsi>, %select_n3A_72, %reduce_min3A_73 [1] : vector<256x2048xi32> to vector<256xi32>
    %broadcast_in_dim3A_75 = vector.shape_cast %reduce_min3A_74 : vector<256xi32> to vector<256x1xi32>
    %lt3A_76 = arith.cmpf olt, %broadcast_in_dim3A_67, %select_n3A_49 : vector<256x1xf32>
    %select_n3A_77 = arith.select %lt3A_76, %broadcast_in_dim3A_67, %select_n3A_49 : vector<256x1xi1>, vector<256x1xf32>
    %add3A_78 = arith.constant 4096 : i32
    %add3A_79 = vector.broadcast %add3A_78 : i32 to vector<256x1xi32>
    %add3A_80 = arith.addi %broadcast_in_dim3A_75, %add3A_79 : vector<256x1xi32>
    %select_n3A_81 = arith.select %lt3A_76, %add3A_80, %select_n3A_53 : vector<256x1xi1>, vector<256x1xi32>
    %get3A_82 = arith.constant 6144 : index
    %get3A_83 = arith.constant 0 : index
    %get3A_84 = vector.load %arg2[%get3A_82, %get3A_83] : memref<8192x32xf32, #tpu.memory_space<vmem>>, vector<2048x32xf32>
    %get3A_85 = arith.constant 0 : index
    %get3A_86 = arith.constant 6144 : index
    %get3A_87 = vector.load %arg3[%get3A_85, %get3A_86] : memref<1x8192xf32, #tpu.memory_space<vmem>>, vector<1x2048xf32>
    %convert_element_type3A_88 = arith.truncf %get3A_84 : vector<2048x32xf32> to vector<2048x32xbf16>
    %dot_general3A_89 = arith.constant dense<0.000000e+00> : vector<256x2048xf32>
    %dot_general3A_90 = tpu.matmul %convert_element_type3A, %convert_element_type3A_88, %dot_general3A_89 {dimension_numbers = #tpu.dot_dimension_numbers<[1], [1], [0], [0], [0, 0, 1, 0], [], []>, transpose_lhs_hint = false} : vector<256x32xbf16>, vector<2048x32xbf16>, vector<256x2048xf32> -> vector<256x2048xf32>
    %add3A_91 = vector.broadcast %get3A_87 : vector<1x2048xf32> to vector<256x2048xf32>
    %add3A_92 = arith.addf %add3A_91, %dot_general3A_90 : vector<256x2048xf32>
    %reduce_min3A_93 = arith.constant dense<0x7F800000> : vector<256xf32>
    %reduce_min3A_94 = vector.multi_reduction <minimumf>, %add3A_92, %reduce_min3A_93 [1] : vector<256x2048xf32> to vector<256xf32>
    %broadcast_in_dim3A_95 = vector.shape_cast %reduce_min3A_94 : vector<256xf32> to vector<256x1xf32>
    %eq3A_96 = vector.broadcast %broadcast_in_dim3A_95 : vector<256x1xf32> to vector<256x2048xf32>
    %eq3A_97 = arith.cmpf oeq, %add3A_92, %eq3A_96 : vector<256x2048xf32>
    %jit3A_98 = arith.constant 8192 : i32
    %broadcast_in_dim3A_99 = vector.broadcast %jit3A_98 : i32 to vector<256x2048xi32>
    %select_n3A_100 = arith.select %eq3A_97, %iota3A, %broadcast_in_dim3A_99 : vector<256x2048xi1>, vector<256x2048xi32>
    %reduce_min3A_101 = arith.constant dense<2147483647> : vector<256xi32>
    %reduce_min3A_102 = vector.multi_reduction <minsi>, %select_n3A_100, %reduce_min3A_101 [1] : vector<256x2048xi32> to vector<256xi32>
    %broadcast_in_dim3A_103 = vector.shape_cast %reduce_min3A_102 : vector<256xi32> to vector<256x1xi32>
    %lt3A_104 = arith.cmpf olt, %broadcast_in_dim3A_95, %select_n3A_77 : vector<256x1xf32>
    %add3A_105 = arith.constant 6144 : i32
    %add3A_106 = vector.broadcast %add3A_105 : i32 to vector<256x1xi32>
    %add3A_107 = arith.addi %broadcast_in_dim3A_103, %add3A_106 : vector<256x1xi32>
    %select_n3A_108 = arith.select %lt3A_104, %add3A_107, %select_n3A_81 : vector<256x1xi1>, vector<256x1xi32>
    %swap3A = arith.constant 0 : index
    %swap3A_109 = arith.constant 0 : index
    %swap3A_110 = vector.load %arg4[%swap3A, %swap3A_109] : memref<256x1xi32, #tpu.memory_space<vmem>>, vector<256x1xi32>
    tpu.vector_store %arg4[%swap3A, %swap3A_109], %select_n3A_108 {strides = array<i32>} : memref<256x1xi32, #tpu.memory_space<vmem>>, vector<256x1xi32>,
    return
  }
  func.func @transform_0(%arg0: i32) -> (i32, i32) {
    %c0_i32 = arith.constant 0 : i32
    %c0_i32_0 = arith.constant 0 : i32
    return %arg0, %c0_i32 : i32, i32
  }
  func.func @transform_1(%arg0: i32) -> (i32, i32) {
    %c0_i32 = arith.constant 0 : i32
    %c0_i32_0 = arith.constant 0 : i32
    %c0_i32_1 = arith.constant 0 : i32
    return %c0_i32, %c0_i32_0 : i32, i32
  }
  func.func @transform_2(%arg0: i32) -> (i32, i32) {
    %c0_i32 = arith.constant 0 : i32
    %c0_i32_0 = arith.constant 0 : i32
    %c0_i32_1 = arith.constant 0 : i32
    return %c0_i32, %c0_i32_0 : i32, i32
  }
  func.func @transform_3(%arg0: i32) -> (i32, i32) {
    %c0_i32 = arith.constant 0 : i32
    %c0_i32_0 = arith.constant 0 : i32
    return %arg0, %c0_i32 : i32, i32
  }
}

module attributes {stable_mosaic.version = 14 : i64} {
  func.func @_finalize_kernel(%arg0: memref<2x8192xf32, #tpu.memory_space<vmem>>, %arg1: memref<32x16xf32, #tpu.memory_space<vmem>>, %arg2: memref<1x8xf32, #tpu.memory_space<smem>>) attributes {dimension_semantics = [], scalar_prefetch = 0 : i64, scratch_operands = 0 : i64, tpu.core_type = #tpu.core_type<tc>} {
    %get3A = arith.constant 0 : index
    %get3A_0 = arith.constant 0 : index
    %get3A_1 = vector.load %arg0[%get3A, %get3A_0] : memref<2x8192xf32, #tpu.memory_space<vmem>>, vector<2x8192xf32>
    %reduce_sum3A = arith.constant dense<0.000000e+00> : vector<8192xf32>
    %reduce_sum3A_2 = vector.multi_reduction <add>, %get3A_1, %reduce_sum3A [0] : vector<2x8192xf32> to vector<8192xf32>
    %broadcast_in_dim3A = vector.shape_cast %reduce_sum3A_2 : vector<8192xf32> to vector<1x8192xf32>
    %get3A_3 = arith.constant 0 : index
    %get3A_4 = arith.constant 0 : index
    %get3A_5 = vector.load %arg1[%get3A_3, %get3A_4] : memref<32x16xf32, #tpu.memory_space<vmem>>, vector<32x16xf32>
    %reduce_sum3A_6 = vector.shape_cast %get3A_5 : vector<32x16xf32> to vector<1x32x16xf32>
    %reduce_sum3A_7 = arith.constant dense<0.000000e+00> : vector<1xf32>
    %reduce_sum3A_8 = vector.multi_reduction <add>, %reduce_sum3A_6, %reduce_sum3A_7 [1, 2] : vector<1x32x16xf32> to vector<1xf32>
    %reduce_sum3A_9 = vector.shape_cast %reduce_sum3A_8 : vector<1xf32> to vector<1x1x1xf32>
    %reduce_sum3A_10 = vector.extract %reduce_sum3A_9[0, 0, 0] : f32 from vector<1x1x1xf32>
    %div3A = arith.constant 5.242880e+05 : f32
    %div3A_11 = arith.divf %reduce_sum3A_10, %div3A : f32
    %div3A_12 = arith.constant 1.638400e+04 : f32
    %div3A_13 = vector.broadcast %div3A_12 : f32 to vector<1x8192xf32>
    %div3A_14 = arith.divf %broadcast_in_dim3A, %div3A_13 : vector<1x8192xf32>
    %add3A = arith.constant 1.000000e-10 : f32
    %add3A_15 = vector.broadcast %add3A : f32 to vector<1x8192xf32>
    %add3A_16 = arith.addf %div3A_14, %add3A_15 : vector<1x8192xf32>
    %log3A = math.log %add3A_16 : vector<1x8192xf32>
    %mul3A = arith.mulf %div3A_14, %log3A : vector<1x8192xf32>
    %reduce_sum3A_17 = vector.shape_cast %mul3A : vector<1x8192xf32> to vector<1x1x8192xf32>
    %reduce_sum3A_18 = arith.constant dense<0.000000e+00> : vector<1xf32>
    %reduce_sum3A_19 = vector.multi_reduction <add>, %reduce_sum3A_17, %reduce_sum3A_18 [1, 2] : vector<1x1x8192xf32> to vector<1xf32>
    %reduce_sum3A_20 = vector.shape_cast %reduce_sum3A_19 : vector<1xf32> to vector<1x1x1xf32>
    %reduce_sum3A_21 = vector.extract %reduce_sum3A_20[0, 0, 0] : f32 from vector<1x1x1xf32>
    %neg3A = arith.constant 0.000000e+00 : f32
    %neg3A_22 = arith.subf %neg3A, %reduce_sum3A_21 : f32
    %exp3A = math.exp %neg3A_22 : f32
    %gt3A = arith.constant 0.000000e+00 : f32
    %gt3A_23 = vector.broadcast %gt3A : f32 to vector<1x8192xf32>
    %gt3A_24 = arith.cmpf ogt, %div3A_14, %gt3A_23 : vector<1x8192xf32>
    %convert_element_type3A = arith.extui %gt3A_24 : vector<1x8192xi1> to vector<1x8192xi32>
    %convert_element_type3A_25 = arith.sitofp %convert_element_type3A : vector<1x8192xi32> to vector<1x8192xf32>
    %reduce_sum3A_26 = vector.shape_cast %convert_element_type3A_25 : vector<1x8192xf32> to vector<1x1x8192xf32>
    %reduce_sum3A_27 = arith.constant dense<0.000000e+00> : vector<1xf32>
    %reduce_sum3A_28 = vector.multi_reduction <add>, %reduce_sum3A_26, %reduce_sum3A_27 [1, 2] : vector<1x1x8192xf32> to vector<1xf32>
    %reduce_sum3A_29 = vector.shape_cast %reduce_sum3A_28 : vector<1xf32> to vector<1x1x1xf32>
    %reduce_sum3A_30 = vector.extract %reduce_sum3A_29[0, 0, 0] : f32 from vector<1x1x1xf32>
    %reduce_sum3A_31 = vector.shape_cast %div3A_14 : vector<1x8192xf32> to vector<1x1x8192xf32>
    %reduce_sum3A_32 = arith.constant dense<0.000000e+00> : vector<1xf32>
    %reduce_sum3A_33 = vector.multi_reduction <add>, %reduce_sum3A_31, %reduce_sum3A_32 [1, 2] : vector<1x1x8192xf32> to vector<1xf32>
    %reduce_sum3A_34 = vector.shape_cast %reduce_sum3A_33 : vector<1xf32> to vector<1x1x1xf32>
    %reduce_sum3A_35 = vector.extract %reduce_sum3A_34[0, 0, 0] : f32 from vector<1x1x1xf32>
    %div3A_36 = arith.constant 8.192000e+03 : f32
    %div3A_37 = arith.divf %reduce_sum3A_35, %div3A_36 : f32
    %mul3A_38 = arith.constant 2.500000e-01 : f32
    %mul3A_39 = arith.mulf %mul3A_38, %div3A_11 : f32
    %swap3A = arith.constant 0 : index
    %swap3A_40 = arith.constant 0 : index
    %swap3A_41 = memref.load %arg2[%swap3A, %swap3A_40] : memref<1x8xf32, #tpu.memory_space<smem>>
    memref.store %mul3A_39, %arg2[%swap3A, %swap3A_40] : memref<1x8xf32, #tpu.memory_space<smem>>
    %swap3A_42 = arith.constant 0 : index
    %swap3A_43 = arith.constant 1 : index
    %swap3A_44 = memref.load %arg2[%swap3A_42, %swap3A_43] : memref<1x8xf32, #tpu.memory_space<smem>>
    memref.store %div3A_11, %arg2[%swap3A_42, %swap3A_43] : memref<1x8xf32, #tpu.memory_space<smem>>
    %swap3A_45 = arith.constant 0 : index
    %swap3A_46 = arith.constant 2 : index
    %swap3A_47 = memref.load %arg2[%swap3A_45, %swap3A_46] : memref<1x8xf32, #tpu.memory_space<smem>>
    memref.store %exp3A, %arg2[%swap3A_45, %swap3A_46] : memref<1x8xf32, #tpu.memory_space<smem>>
    %swap3A_48 = arith.constant 0 : index
    %swap3A_49 = arith.constant 3 : index
    %swap3A_50 = memref.load %arg2[%swap3A_48, %swap3A_49] : memref<1x8xf32, #tpu.memory_space<smem>>
    memref.store %reduce_sum3A_30, %arg2[%swap3A_48, %swap3A_49] : memref<1x8xf32, #tpu.memory_space<smem>>
    %swap3A_51 = arith.constant 0 : index
    %swap3A_52 = arith.constant 4 : index
    %swap3A_53 = memref.load %arg2[%swap3A_51, %swap3A_52] : memref<1x8xf32, #tpu.memory_space<smem>>
    memref.store %div3A_37, %arg2[%swap3A_51, %swap3A_52] : memref<1x8xf32, #tpu.memory_space<smem>>
    %swap3A_54 = arith.constant 0.000000e+00 : f32
    %swap3A_55 = arith.constant 0 : index
    %swap3A_56 = arith.constant 5 : index
    %swap3A_57 = memref.load %arg2[%swap3A_55, %swap3A_56] : memref<1x8xf32, #tpu.memory_space<smem>>
    memref.store %swap3A_54, %arg2[%swap3A_55, %swap3A_56] : memref<1x8xf32, #tpu.memory_space<smem>>
    %swap3A_58 = arith.constant 0.000000e+00 : f32
    %swap3A_59 = arith.constant 0 : index
    %swap3A_60 = arith.constant 6 : index
    %swap3A_61 = memref.load %arg2[%swap3A_59, %swap3A_60] : memref<1x8xf32, #tpu.memory_space<smem>>
    memref.store %swap3A_58, %arg2[%swap3A_59, %swap3A_60] : memref<1x8xf32, #tpu.memory_space<smem>>
    %swap3A_62 = arith.constant 0.000000e+00 : f32
    %swap3A_63 = arith.constant 0 : index
    %swap3A_64 = arith.constant 7 : index
    %swap3A_65 = memref.load %arg2[%swap3A_63, %swap3A_64] : memref<1x8xf32, #tpu.memory_space<smem>>
    memref.store %swap3A_62, %arg2[%swap3A_63, %swap3A_64] : memref<1x8xf32, #tpu.memory_space<smem>>
    return
  }
}

</mosaic_0001>

<sc_bundles>
// kernel: kernel.5.cloned.1.call-start
scs
__scs_entry_jumppad:
0x0: {  	(pc) =	sbr.rel $0x88, $3  }
0x1: {  	(tag) =	ssettag $0x0;
	lr =	simm.s32 $0x1  }
0x2: {  	[smem:$0x3F9F] =	sst lr;
	_ =	strace $0xD0000000  }
0x3: {  	_ = 	snop  }
0x4: {  	_ = 	snop  }
0x5: {  	_ = 	snop  }
0x6: {  	_ = 	snop  }
0x7: {  	_ = 	snop  }
__scs_overlays_trampoline_lowered:
0x8: {  	[smem:$0x3FAE] =	sst s0  }
0x9: {  	[smem:$0x3FAF] =	sst s1  }
0xa: {  	[smem:$0x3FB0] =	sst s2  }
0xb: {  	[smem:$0x3FB1] =	sst s3  }
0xc: {  	[smem:$0x3FB2] =	sst s4  }
0xd: {  	[smem:$0x3FB3] =	sst s5  }
0xe: {  	[smem:$0x3FB4] =	sst s6  }
0xf: {  	[smem:$0x3FB5] =	sst s7  }
0x10: {  	[smem:$0x3FB6] =	sst s8  }
0x11: {  	[smem:$0x3FB7] =	sst s9;
	s0 =	simm.s32 @!p0 $0x0  }
0x12: {  	s1 =	sld [smem:$0x3F9D];
	s0 =	simm.s32 @p0 $0x1  }
0x13: {  	[smem:$0x3FB8] =	sst s0;
	s0 =	simm.s32 @!p1 $0x0  }
0x14: {  	s2 =	sld [smem:$0x3F9C];
	s0 =	simm.s32 @p1 $0x1  }
0x15: {  	[smem:$0x3FB9] =	sst s0;
	s0 =	simm.s32 @!p2 $0x0  }
0x16: {  	s3 =	sld [smem:$0x3FDB];
	s0 =	simm.s32 @p2 $0x1  }
0x17: {  	s4 =	simm.s32 $0x1BF5;
	[smem:$0x3FBB] =	sst s0  }
0x18: {  	s0 =	sld [smem:$0x3F9E];
	_ =	swait.ge [sflag:s4], $0x0  }
0x19: {  	s7 =	sld [smem:$0x3F9F]  }
0x1a: {  	s8 =	sadd.s32 $0xFFFFE003, lr  }
0x1b: {  	s9 =	sadd.s32 $0xFFFFFEF7, lr;
	s5 =	simm.s32 $0xFFFFFFFF;
	p2 =	slt.u32 s8, $0xFFFFF086  }
0x1c: {  	p1 =	slt.u32 s9, $0xF7A;
	s5 =	simm.s32 @!p2 $0x0  }
0x1d: {  	s5 =	simm.s32 @p1 $0x1;
	p0 =	seq.s32 s7, s2  }
0x1e: {  	s7 =	smul.u32 @!p0 $0xF7A, s2;
	p2 =	seq.s32 @!p0 s5, $0x0  }
0x1f: {  	s9 =	smul.u32 $0xF7A, s1;
	s8 =	simm.s32 @!p0 $0x1BF5;
	p2 =	por !p2, p0  }
0x20: {  	[sflag:s8] =	ssyncset.s32 @!p0 $0xFFFFF086;
	s6 =	sadd.s32 @!p0 s3, s7;
	s7 =	simm.s32 @!p0 $0x108  }
0x21: {  	s3 =	sadd.s32 s3, s9;
	s6 =	sadd.s32 @!p0 $0x88, s6;
	s7 =	simm.s32 @p2 $0x1082  }
0x22: {  	[simem:s7], [sflag:s8] =	dma.local @!p0 [hbm:s6], $0xF7A  }
0x23: {  	s9 =	sor.u32 $0xD0000000, s2;
	s6 =	simm.s32 $0x108;
	_ =	swait.ge @!p0 [sflag:s8], $0x0  }
0x24: {  	s3 =	sadd.s32 $0x88, s3;
	s6 =	simm.s32 @!p1 $0x1082;
	[sflag:s4] =	ssyncset.s32 $0xFFFFF086  }
0x25: {  	[simem:s6], [sflag:s4] =	dma.local [hbm:s3], $0xF7A  }
0x26: {  	[smem:$0x3F9F] =	sst s1;
	(tag) =	ssettag s2;
	_ =	strace s9  }
0x27: {  	s1 =	sld [smem:$0x3FAF]  }
0x28: {  	s2 =	sld [smem:$0x3FB0]  }
0x29: {  	s4 =	sld [smem:$0x3FB2]  }
0x2a: {  	p0 =	seq.s32 s5, $0x0;
	s5 =	sld [smem:$0x3FB3]  }
0x2b: {  	s6 =	sld [smem:$0x3FB4]  }
0x2c: {  	s7 =	sld [smem:$0x3FB5]  }
0x2d: {  	s3 =	simm.s32 $0x108;
	s8 =	sld [smem:$0x3FB6]  }
0x2e: {  	s3 =	simm.s32 @!p0 $0x1082;
	s9 =	sld [smem:$0x3FB7]  }
0x2f: {  	lr =	sadd.s32 s0, s3;
	s0 =	sld [smem:$0x3FAE]  }
0x30: {  	s3 =	sld [smem:$0x3FB1]  }
0x31: {  	[smem:$0x3FBA] =	sst s10  }
0x32: {  	s10 =	sld [smem:$0x3FB8];
	_ =	sdelay $0x3  }
0x33: {  	p0 =	seq.s32 s10, $0x1;
	s10 =	sld [smem:$0x3FBA];
	_ =	sdelay $0x3  }
0x34: {  	[smem:$0x3FBA] =	sst s10  }
0x35: {  	s10 =	sld [smem:$0x3FB9];
	_ =	sdelay $0x3  }
0x36: {  	p1 =	seq.s32 s10, $0x1;
	s10 =	sld [smem:$0x3FBA];
	_ =	sdelay $0x3  }
0x37: {  	[smem:$0x3FBA] =	sst s10  }
0x38: {  	s10 =	sld [smem:$0x3FBB]  }
0x39: {  	_ = 	snop;
	(pc) =	sbr.ind lr, $3  }
0x3a: {  	_ = 	snop  }
0x3b: {  	_ = 	snop  }
0x3c: {  	p2 =	seq.s32 s10, $0x1;
	s10 =	sld [smem:$0x3FBA]  }
0x3d: {  	_ =	shalt  }
0x3e: {  	_ =	shalt  }
0x3f: {  	_ =	shalt  }
0x40: {  	_ =	shalt  }
0x41: {  	_ =	shalt  }
0x42: {  	_ =	shalt  }
0x43: {  	_ =	shalt  }
0x44: {  	_ =	shalt  }
0x45: {  	_ =	shalt  }
0x46: {  	_ =	shalt  }
0x47: {  	_ =	shalt  }
0x48: {  	_ =	shalt  }
0x49: {  	_ =	shalt  }
0x4a: {  	_ =	shalt  }
0x4b: {  	_ =	shalt  }
0x4c: {  	_ =	shalt  }
0x4d: {  	_ =	shalt  }
0x4e: {  	_ =	shalt  }
0x4f: {  	_ =	shalt  }
0x50: {  	_ =	shalt  }
0x51: {  	_ =	shalt  }
0x52: {  	_ =	shalt  }
0x53: {  	_ =	shalt  }
0x54: {  	_ =	shalt  }
0x55: {  	_ =	shalt  }
0x56: {  	_ =	shalt  }
0x57: {  	_ =	shalt  }
0x58: {  	_ =	shalt  }
0x59: {  	_ =	shalt  }
0x5a: {  	_ =	shalt  }
0x5b: {  	_ =	shalt  }
0x5c: {  	_ =	shalt  }
0x5d: {  	_ =	shalt  }
0x5e: {  	_ =	shalt  }
0x5f: {  	_ =	shalt  }
0x60: {  	_ =	shalt  }
0x61: {  	_ =	shalt  }
0x62: {  	_ =	shalt  }
0x63: {  	_ =	shalt  }
0x64: {  	_ =	shalt  }
0x65: {  	_ =	shalt  }
0x66: {  	_ =	shalt  }
0x67: {  	_ =	shalt  }
0x68: {  	_ =	shalt  }
0x69: {  	_ =	shalt  }
0x6a: {  	_ =	shalt  }
0x6b: {  	_ =	shalt  }
0x6c: {  	_ =	shalt  }
0x6d: {  	_ =	shalt  }
0x6e: {  	_ =	shalt  }
0x6f: {  	_ =	shalt  }
0x70: {  	_ =	shalt  }
0x71: {  	_ =	shalt  }
0x72: {  	_ =	shalt  }
0x73: {  	_ =	shalt  }
0x74: {  	_ =	shalt  }
0x75: {  	_ =	shalt  }
0x76: {  	_ =	shalt  }
0x77: {  	_ =	shalt  }
0x78: {  	_ =	shalt  }
0x79: {  	_ =	shalt  }
0x7a: {  	_ =	shalt  }
0x7b: {  	_ =	shalt  }
0x7c: {  	_ =	shalt  }
0x7d: {  	_ =	shalt  }
0x7e: {  	_ =	shalt  }
0x7f: {  	_ =	shalt  }
0x80: {  	_ =	shalt  }
0x81: {  	_ =	shalt  }
0x82: {  	_ =	shalt  }
0x83: {  	_ =	shalt  }
0x84: {  	_ =	shalt  }
0x85: {  	_ =	shalt  }
0x86: {  	_ =	shalt  }
0x87: {  	_ =	shalt  }
.Lfunc_end0:
.L_simem_size_0:
called_computation_lowered:
.L_overlay_start_0:
0x88: {  	s2 =	sld [smem:$0x3FD9]  }
0x89: {  	s3 =	sld [smem:$0x3FFE];
	_ =	sdelay $0x1  }
0x8a: {  	s1 =	srdreg.scid  }
0x8b: {  	s0 =	sand.u32 $0x1, s1  }
0x8c: {  	s14 =	sshll.u32 s0, $0xA;
	s2 =	sadd.s32 s3, s2  }
0x8d: {  	s2 =	sadd.s32 s2, s14  }
0x8e: {  	[smem:$0x3FC6] =	sst s2  }
0x8f: {  	_ = 	snop  }
0x90: {  	s2 =	sld [smem:$0x3FD0];
	_ =	sdelay $0x2  }
0x91: {  	s15 =	simm.s32 $0xA;
	s4 =	simm.s32 $0x10  }
0x92: {  	[smem:s4], [sflag:s15] =	dma.local [hbm:s2], $0x1  }
0x93: {  	_ =	swait.eq [sflag:s15], $0x1  }
0x94: {  	[sflag:s15] =	ssyncset.done $0x0  }
0x95: {  	s16 =	sld [smem:$0x10];
	[sflag:s15] =	ssyncadd.s32 $0xFFFFFFFF  }
0x96: {  	s17 =	sld [smem:$0x11];
	(tm) =	ssettm $0x1  }
0x97: {  	s18 =	sld [smem:$0x3FFB];
	_ =	sdelay $0x3  }
0x98: {  	_ =	strace s18  }
0x99: {  	s4 =	sld [smem:$0x3FFC];
	_ =	sdelay $0x3  }
0x9a: {  	_ =	strace s4  }
0x9b: {  	s4 =	sld [smem:$0x3FFD];
	_ =	sdelay $0x3  }
0x9c: {  	_ =	strace s4  }
0x9d: {  	_ =	strace $0x8FFFFFFF  }
0x9e: {  	s19 =	sld [smem:$0x3FDB];
	_ =	sdelay $0x1  }
0x9f: {  	s5 =	simm.s32 $_scs_section_size  }
0xa0: {  	s6 =	simm.s32 $_size__tile_overlayer_lowered;
	s7 =	simm.s32 $_tile_overlayer_lowered  }
0xa1: {  	s22 =	simm.s32 $0x1BFF;
	s21 =	sshll.u32 s7, $0x1;
	s4 =	sadd.s32 s5, s19  }
0xa2: {  	s8 =	simm.s32 $0x0;
	s20 =	sshll.u32 s6, $0x1;
	s6 =	sadd.s32 s21, s4  }
0xa3: {  	[timem:s8], [sflag:s22] =	dma.local [hbm:s6], s20  }
0xa4: {  	_ =	swait.ge [sflag:s22], s20  }
0xa5: {  	s5 =	ssub.s32 $0x0, s20;
	[sflag:s22] =	ssyncset.done $0x0  }
0xa6: {  	[sflag:s22] =	ssyncadd.s32 s5;
	_ =	sdelay $0x1  }
0xa7: {  	s23 =	simm.s32 $0x1B8B  }
0xa8: {  	_ =	swait.ge [sflag:s23], $0x1  }
0xa9: {  	[sflag:s23] =	ssyncset.done $0x0  }
0xaa: {  	s25 =	simm.s32 $0x1B8E;
	s24 =	sld [smem:$0x3FFE];
	[sflag:s23] =	ssyncadd.s32 $0xFFFFFFFF  }
0xab: {  	s26 =	simm.s32 $execute0_lowered;
	[smem:$0x3FD2] =	sst s25  }
0xac: {  	s6 =	sshll.u32 s26, $0x1;
	_ =	strace $0x80000046;
	[dreg:$0x1] =	wrdreg $0xFFFFFFFF  }
0xad: {  	s28 =	simm.s32 $_size_execute0_lowered;
	s4 =	sadd.s32 s4, s6;
	[dreg:$0x0] =	wrdreg $0x0  }
0xae: {  	s6 =	sshll.u32 s28, $0x1;
	[dreg:$0x2] =	wrdreg s4  }
0xaf: {  	[dreg:$0x3] =	wrdreg s6  }
0xb0: {  	[dreg:$0x4] =	wrdreg $0xC0  }
0xb1: {  	_ =	task [dreg:s8], $0x5FFFF  }
0xb2: {  	[dreg:$0x1] =	wrdreg $0xFFFFFFFF  }
0xb3: {  	[dreg:$0x0] =	wrdreg $0x60  }
0xb4: {  	[dreg:$0x2] =	wrdreg s17  }
0xb5: {  	[dreg:$0x3] =	wrdreg s24  }
0xb6: {  	[dreg:$0x4] =	wrdreg s16  }
0xb7: {  	[dreg:$0x5] =	wrdreg $0xA2900  }
0xb8: {  	[dreg:$0x6] =	wrdreg $0x9  }
0xb9: {  	_ =	task.clear_ibuf [dreg:s8], $0x7FFFF;
	_ =	strace $0x90000046  }
0xba: {  	s29 =	simm.s32 $0x9;
	_ =	strace $0x80000048  }
0xbb: {  	_ =	swait.ge [sflag:s29], $0x1  }
0xbc: {  	[sflag:s29] =	ssyncadd.s32 $0xFFFFFFFF  }
0xbd: {  	_ =	strace $0x90000048  }
0xbe: {  	_ =	sfence  }
0xbf: {  	s30 =	sld [smem:$0x0];
	_ =	sdelay $0x2  }
0xc0: {  	s31 =	sshll.u32 s1, $0xD;
	s1 =	sshrl.u32 s1, $0x2  }
0xc1: {  	s3 =	sand.u32 $0x4000, s31;
	s1 =	sadd.s32 s1, s30  }
0xc2: {  	s0 =	sor.u32 s3, s0;
	s1 =	sshll.u32 s1, $0x11  }
0xc3: {  	s0 =	sor.u32 s1, s0  }
0xc4: {  	s0 =	sadd.s32 $0x8F2B, s0  }
0xc5: {  	[sflag:s0] =	ssyncadd.remote.s32 $0x1  }
0xc6: {  	_ =	sfence.sel $0xFFFF  }
0xc7: {  	[dreg:$0x0] =	wrdreg $0xFFFFFFFF;
	(pc) =	sbr.abs _section_cstart, $3  }
0xc8: {  	[dreg:$0x1] =	wrdreg $0xFFFFFFFF  }
0xc9: {  	_ =	task.clear_ibuf [dreg:s8], $0x2FFFF;
	_ =	strace $0x9FFFFFFF  }
0xca: {  	(tm) =	ssettm $0x7FFFFFFF  }
0xcb: {  	_ =	shalt  }
tec
execute0_lowered:
.L_overlay_start_1:
0x0: {  	(tag) =	ssettag $0x1  }
0x1: {  	s5 =	rddreg [dreg:$0x0]  }
0x2: {  	s1 =	rddreg [dreg:$0x1]  }
0x3: {  	s4 =	rddreg [dreg:$0x2]  }
0x4: {  	s2 =	rddreg [dreg:$0x3]  }
0x5: {  	s0 =	rddreg [dreg:$0x4]  }
0x6: {  	s6 =	srdreg.scid;
	s10 =	stileid.u32;
	s3 =	simm.s32 $0x0  }
0x7: {  	s14 =	simm.s32 $0x1200;
	s15 =	simm.s32 $0x100;
	s16 =	simm.s32 $0x2200  }
0x8: {  	s17 =	simm.s32 $0x180;
	s18 =	simm.s32 $0x3200;
	s19 =	simm.s32 $0x4200  }
0x9: {  	s20 =	simm.s32 $0x1;
	s21 =	simm.s32 $0x8200;
	s22 =	simm.s32 $0xA280  }
0xa: {  	s23 =	simm.s32 $0x0;
	s6 =	sand.u32 $0x1, s6;
	s7 =	sshll.u32 s10, $0x1  }
0xb: {  	[smem:$0x7FF] =	sst s3;
	p0 =	sne.s32 s10, $0x0;
	s10 =	simm.s32 $0x8280  }
0xc: {  	s7 =	sor.u32 s6, s7;
	_ =	strace $0x80000047;
	s11 =	sshll.u32 s6, $0xA  }
0xd: {  	s6 =	ssub.s32 $0x2, s6;
	s8 =	sshll.u32 s7, $0xB;
	s11 =	sadd.s32 s11, s1  }
0xe: {  	s12 =	sshll.u32 s7, $0x1;
	s13 =	sshrl.u32 s6, $0x1;
	s31 =	sshll.u32 s7, $0x6  }
0xf: {  	s9 =	sadd.s32 s8, s1;
	s12 =	sadd.s32 s12, s1;
	s13 =	ssub.s32 s6, s13  }
0x10: {  	s4 =	sadd.s32 s4, s31;
	s5 =	sadd.s32 s5, s8;
	s8 =	sadd.s32 $0x8000, s11  }
0x11: {  	s11 =	simm.s32 $0x2;
	s6 =	sadd.s32 $0x8A00, s9;
	s7 =	sadd.s32 $0x8800, s12  }
0x12: {  	v0 =	vimm.f32 $0.0e+00;
	v1 =	vimm.f32 $1.000000000e+00;
	s9 =	smax.u32 s13, $0x1;
	s12 =	simm.s32 $0x80;
	s13 =	simm.s32 $0x200  }
.LBB2_1:
.Ltmp0:
0x13: {  	(pc) =	sbr.rel @p0 .LBB2_5-.Ltmp0, $1  }
0x14: {  	_ =	sdelay $0x3  }
0x15: {  	s24 =	simm.s32 $0x40;
	s25 =	simm.s32 $0x0  }
.LBB2_3:
0x16: {  	p1 =	sne.s32 s24, $0x7FC0;
	[tilespmem:s25+$0x8280] =	vst v0;
	s25 =	smov.u32 s24;
	s24 =	sadd.s32 $0x40, s24  }
.Ltmp1:
0x17: {  	(pc) =	sbr.rel @p1 .LBB2_3-.Ltmp1, $2  }
0x18: {  	_ =	sdelay $0x2  }
0x19: {  	s25 =	sshra.s32 s25, $0x2  }
0x1a: {  	[tilespmem:s25+$0x8280] =	vst v0  }
0x1b: {  	[spmem:s2] =	stream.linear.scatter [tilespmem:s10], [sflag:$0x2], $0x2000, $0x38;
	[tilespmem:$0xA490] =	vst v63  }
0x1c: {  	_ =	swait.ge [sflag:s11], $0x2000  }
0x1d: {  	[sflag:s11] =	ssyncset.done $0x0  }
0x1e: {  	[sflag:s11] =	ssyncadd.s32 $0xFFFFE000  }
.LBB2_5:
0x1f: {  	s24 =	simm.s32 $0x0  }
0x20: {  	[tilespmem:s24], [sflag:$0x2] =	stream.linear.gather [hbm4b:s4+s24], $0x200, $0x38;
	[tilespmem:$0xA490] =	vst v63  }
0x21: {  	_ =	swait.ge [sflag:s11], $0x200  }
0x22: {  	[sflag:s11] =	ssyncset.done $0x0  }
0x23: {  	[sflag:s11] =	ssyncadd.s32 $0xFFFFFE00  }
0x24: {  	[tilespmem:s13], [sflag:$0x1] =	stream.indirect.gather [hbm4b:s1+s12], $0x20, s24, s12, $0xb8;
	[tilespmem:$0xA490] =	vst v63  }
0x25: {  	_ = 	snop  }
0x26: {  	[tilespmem:s14], [sflag:$0x1] =	stream.indirect.gather [hbm4b:s1+s12], $0x20, s12, s12, $0xb8;
	[tilespmem:$0xA490] =	vst v63  }
0x27: {  	_ = 	snop  }
0x28: {  	[tilespmem:s16], [sflag:$0x1] =	stream.indirect.gather [hbm4b:s1+s12], $0x20, s15, s12, $0xb8;
	[tilespmem:$0xA490] =	vst v63  }
0x29: {  	_ = 	snop  }
0x2a: {  	[tilespmem:s18], [sflag:$0x1] =	stream.indirect.gather [hbm4b:s1+s12], $0x20, s17, s12, $0xb8;
	[tilespmem:$0xA490] =	vst v63  }
0x2b: {  	_ = 	snop  }
0x2c: {  	[tilespmem:s19], [sflag:$0x2] =	stream.linear.gather [hbm4b:s5+s24], $0x4000, $0x38;
	[tilespmem:$0xA490] =	vst v63  }
0x2d: {  	_ =	swait.ge [sflag:s11], $0x4000  }
0x2e: {  	[sflag:s11] =	ssyncset.done $0x0  }
0x2f: {  	[sflag:s11] =	ssyncadd.s32 $0xFFFFC000  }
0x30: {  	_ =	swait.ge [sflag:s20], $0x1000  }
0x31: {  	[sflag:s20] =	ssyncset.done $0x0  }
0x32: {  	[sflag:s20] =	ssyncadd.s32 $0xFFFFF000  }
0x33: {  	_ =	swait.ge [sflag:s20], $0x1000  }
0x34: {  	[sflag:s20] =	ssyncset.done $0x0  }
0x35: {  	[sflag:s20] =	ssyncadd.s32 $0xFFFFF000  }
0x36: {  	_ =	swait.ge [sflag:s20], $0x1000  }
0x37: {  	[sflag:s20] =	ssyncset.done $0x0  }
0x38: {  	[sflag:s20] =	ssyncadd.s32 $0xFFFFF000  }
0x39: {  	_ =	swait.ge [sflag:s20], $0x1000  }
0x3a: {  	[sflag:s20] =	ssyncset.done $0x0  }
0x3b: {  	[sflag:s20] =	ssyncadd.s32 $0xFFFFF000  }
0x3c: {  	[tilespmem:$0x8200] =	vst v1  }
0x3d: {  	[tilespmem:$0x8210] =	vst v1  }
0x3e: {  	[tilespmem:$0x8220] =	vst v1  }
0x3f: {  	[tilespmem:$0x8230] =	vst v1  }
0x40: {  	[tilespmem:$0x8240] =	vst v1  }
0x41: {  	[tilespmem:$0x8250] =	vst v1  }
0x42: {  	[tilespmem:$0x8260] =	vst v1  }
0x43: {  	[tilespmem:$0x8270] =	vst v1  }
0x44: {  	[bflag:$0x0] =	sbarrier.arrive $0xFFFF  }
0x45: {  	[spmem:s2] =	stream.indirect.scatter.add.f32 [tilespmem:s21], [sflag:$0x2], $0x1, s24, s12, $0xb8;
	[tilespmem:$0xA490] =	vst v63  }
0x46: {  	_ =	swait.ge [sflag:s11], $0x80  }
0x47: {  	[sflag:s11] =	ssyncset.done $0x0  }
0x48: {  	[sflag:s11] =	ssyncadd.s32 $0xFFFFFF80  }
0x49: {  	[spmem:s2] =	stream.indirect.scatter.add.f32 [tilespmem:s21], [sflag:$0x2], $0x1, s12, s12, $0xb8;
	[tilespmem:$0xA490] =	vst v63  }
0x4a: {  	_ =	swait.ge [sflag:s11], $0x80  }
0x4b: {  	[sflag:s11] =	ssyncset.done $0x0  }
0x4c: {  	[sflag:s11] =	ssyncadd.s32 $0xFFFFFF80  }
0x4d: {  	[spmem:s2] =	stream.indirect.scatter.add.f32 [tilespmem:s21], [sflag:$0x2], $0x1, s15, s12, $0xb8;
	[tilespmem:$0xA490] =	vst v63  }
0x4e: {  	_ =	swait.ge [sflag:s11], $0x80  }
0x4f: {  	[sflag:s11] =	ssyncset.done $0x0  }
0x50: {  	[sflag:s11] =	ssyncadd.s32 $0xFFFFFF80  }
0x51: {  	[spmem:s2] =	stream.indirect.scatter.add.f32 [tilespmem:s21], [sflag:$0x2], $0x1, s17, s12, $0xb8;
	[tilespmem:$0xA490] =	vst v63  }
0x52: {  	_ =	swait.ge [sflag:s11], $0x80  }
0x53: {  	[sflag:s11] =	ssyncset.done $0x0  }
0x54: {  	s24 =	simm.s32 $0x0;
	[sflag:s11] =	ssyncadd.s32 $0xFFFFFF80  }
0x55: {  	v2 =	vld [tilespmem:s24+$0x210]  }
0x56: {  	v3 =	vld [tilespmem:s24+$0x200]  }
0x57: {  	v4 =	vld [tilespmem:s24+$0x4200]  }
0x58: {  	v5 =	vld [tilespmem:s24+$0x4210];
	_ =	sdelay $0x3  }
0x59: {  	v3 =	vsub.f32 v3, v4  }
0x5a: {  	v8 =	vsub.f32 v2, v5  }
0x5b: {  	s25 =	simm.s32 $0x20;
	v6 =	vadd.f32 v3, v4;
	v4 =	vmul.f32 v3, v3  }
0x5c: {  	s26 =	simm.s32 $0x100;
	v2 =	vimm.f32 $0.0e+00;
	v3 =	vld [tilespmem:s25+$0x210];
	v7 =	vadd.f32 v8, v5;
	v5 =	vmul.f32 v8, v8  }
.LBB2_6:
0x5d: {  	p1 =	sne.s32 s26, $0xFF80;
	v8 =	vld [tilespmem:s25+$0x200];
	[tilespmem:s24+$0x4200] =	vst v6;
	v2 =	vadd.f32 v4, v2  }
0x5e: {  	v4 =	vld [tilespmem:s25+$0x4200];
	[tilespmem:s24+$0x4210] =	vst v7;
	s24 =	smov.u32 s25  }
0x5f: {  	v7 =	vld [tilespmem:s24+$0x4210];
	v2 =	vadd.f32 v5, v2;
	_ =	sdelay $0x2  }
.Ltmp2:
0x60: {  	(pc) =	sbr.rel @p1 .LBB2_6-.Ltmp2, $4  }
0x61: {  	v5 =	vsub.f32 v8, v4  }
0x62: {  	v8 =	vsub.f32 v3, v7  }
0x63: {  	s25 =	sshra.s32 s26, $0x2;
	v6 =	vadd.f32 v5, v4;
	v4 =	vmul.f32 v5, v5  }
0x64: {  	s26 =	sadd.s32 $0x80, s26;
	v3 =	vld [tilespmem:s25+$0x210];
	v7 =	vadd.f32 v8, v7;
	v5 =	vmul.f32 v8, v8  }
0x65: {  	v8 =	vld [tilespmem:s25+$0x200];
	[tilespmem:s24+$0x4200] =	vst v6  }
0x66: {  	v6 =	vld [tilespmem:s25+$0x4200]  }
0x67: {  	[tilespmem:s24+$0x4210] =	vst v7  }
0x68: {  	v7 =	vld [tilespmem:s25+$0x4210];
	_ =	sdelay $0x2  }
0x69: {  	v2 =	vadd.f32 v4, v2;
	v61 =	vsub.f32 v8, v6;
	_ =	sdelay $0x1  }
0x6a: {  	v2 =	vadd.f32 v5, v2;
	v3 =	vsub.f32 v3, v7;
	v62 =	vmul.f32 v61, v61;
	_ =	sdelay $0x1  }
0x6b: {  	v4 =	vadd.f32 v61, v6;
	v63 =	vmul.f32 v3, v3;
	v2 =	vadd.f32 v62, v2  }
0x6c: {  	v3 =	vadd.f32 v3, v7  }
0x6d: {  	[tilespmem:s25+$0x4200] =	vst v4;
	v2 =	vadd.f32 v63, v2  }
0x6e: {  	[tilespmem:s25+$0x4210] =	vst v3  }
0x6f: {  	[tilespmem:$0xA280] =	vst v2  }
0x70: {  	[hbm4b:s6+s3] =	stream.linear.scatter [tilespmem:s19], [sflag:$0x2], $0x4000, $0x38;
	[tilespmem:$0xA490] =	vst v63  }
0x71: {  	_ =	swait.ge [sflag:s11], $0x4000  }
0x72: {  	[sflag:s11] =	ssyncset.done $0x0  }
0x73: {  	[sflag:s11] =	ssyncadd.s32 $0xFFFFC000  }
0x74: {  	[hbm4b:s7+s3] =	stream.linear.scatter [tilespmem:s22], [sflag:$0x2], $0x10, $0x38;
	[tilespmem:$0xA490] =	vst v63  }
0x75: {  	_ =	swait.ge [sflag:s11], $0x10  }
0x76: {  	[sflag:s11] =	ssyncset.done $0x0  }
0x77: {  	s23 =	sadd.s32 $0x1, s23;
	s24 =	sshrl.u32 @!p0 s2, $0x3;
	[sflag:s11] =	ssyncadd.s32 $0xFFFFFFF0  }
0x78: {  	p1 =	sne.s32 s23, s9;
	s25 =	simm.s32 @!p0 $0x1C02;
	[bflag:$0x0] =	sbarrier.arrive $0xFFFF  }
0x79: {  	[hbm:s8], [sflag:s25] =	dma.local @!p0 [spmem:s24], $0x400  }
.Ltmp3:
0x7a: {  	_ = 	snop;
	(pc) =	sbr.rel @p1 .LBB2_1-.Ltmp3, $4  }
0x7b: {  	s24 =	simm.s32 @!p0 $0x2  }
0x7c: {  	_ =	swait.ge @!p0 [sflag:s24], $0x400  }
0x7d: {  	[sflag:s24] =	ssyncset.done @!p0 $0x0  }
0x7e: {  	[sflag:s24] =	ssyncadd.s32 @!p0 $0xFFFFFC00  }
0x7f: {  	_ =	sfence.sel $0x180000  }
0x80: {  	[bflag:$0x0] =	sbarrier.arrive $0xFFFF  }
0x81: {  	_ =	strace $0x90000047  }
0x82: {  	s0 =	sadd.s32 @!p0 $0x100000, s0;
	[bflag:$0x2] =	sbarrier.arrive $0xFFFF  }
0x83: {  	[sflag:s0] =	ssyncadd.tile.s32 @!p0 $0x1;
	_ =	shalt  }
.Lfunc_end2:
_tile_overlayer_lowered:
.L_overlay_start_2:
0x84: {  	(tag) =	ssettag $0x2  }
0x85: {  	s0 =	rddreg [dreg:$0x0];
	s2 =	stileid.u32  }
0x86: {  	s1 =	rddreg [dreg:$0x1];
	p0 =	sne.s32 s2, $0x0  }
0x87: {  	s3 =	rddreg [dreg:$0x2];
	[bflag:$0x3] =	sbarrier.arrive $0xFFFF;
	s2 =	simm.s32 @!p0 $0x1C02  }
0x88: {  	[timem:s3], [sflag:s2] =	dma.local @!p0 [hbm:s0], s1  }
0x89: {  	s0 =	simm.s32 @!p0 $0x2  }
0x8a: {  	_ =	swait.ge @!p0 [sflag:s0], s1  }
0x8b: {  	s1 =	ssub.s32 @!p0 $0x0, s1;
	[sflag:s0] =	ssyncset.done @!p0 $0x0  }
0x8c: {  	[sflag:s0] =	ssyncadd.s32 @!p0 s1  }
0x8d: {  	[bflag:$0x3] =	sbarrier.arrive $0xFFFF  }
0x8e: {  	_ =	shalt  }

</sc_bundles>
